<compile_context>
chip_gen: v7x
topology: tpu7x:2x2x1
jax: 0.10.2.dev20260603
libtpu: 0.0.44.dev20260713+nightly
codegen_flags: <defaults>
</compile_context>

<pallas_src>
import functools

import jax
import jax.numpy as jnp
from jax import lax
from jax.experimental import pallas as pl
from jax.experimental.pallas import tpu as pltpu
from jax.experimental.pallas import tpu_sc as plsc

TEMP = 0.07
B, N, C, K = 8, 196, 384, 128
SLAB = 56
SLABS_PER_B = 4
NSTRIDE = SLAB * SLABS_PER_B
OUT_LEN = B * NSTRIDE


def _sim_body(qt_ref, kt_ref, negt_ref, pos_ref, s_ref, negp_ref, posp_ref):
    for b in range(B):
        qb = qt_ref[:, b, :]
        kb = kt_ref[:, b, :]
        qn = qb / jnp.maximum(jnp.sqrt(jnp.sum(qb * qb, axis=-1, keepdims=True)),
                              1e-12)
        kn = kb / jnp.maximum(jnp.sqrt(jnp.sum(kb * kb, axis=-1, keepdims=True)),
                              1e-12)
        s = lax.dot_general(qn, kn, (((1,), (1,)), ((), ())),
                            preferred_element_type=jnp.float32)
        s_ref[b, 0:N, :] = s / TEMP
        negp_ref[b, 192:NSTRIDE, :] = jnp.zeros((NSTRIDE - 192, K), jnp.int32)
        negp_ref[b, 0:N, :] = negt_ref[:, b, :]
        posp_ref[pl.ds(b * NSTRIDE + 192, NSTRIDE - 192)] = jnp.zeros(
            (NSTRIDE - 192,), jnp.int32)
        posp_ref[pl.ds(b * NSTRIDE, N)] = pos_ref[b, :]


def _loss_body(x_ref, pv_ref, o_ref):
    x = x_ref[:]
    pv = pv_ref[:].reshape(OUT_LEN, 1)
    i = lax.broadcasted_iota(jnp.int32, (OUT_LEN, 1), 0)
    valid = (i % NSTRIDE) < N
    m = jnp.maximum(jnp.max(x, axis=1, keepdims=True), pv)
    se = jnp.sum(jnp.exp(x - m), axis=1, keepdims=True) + jnp.exp(pv - m)
    per_row = jnp.where(valid, m + jnp.log(se) - pv, 0.0)
    o_ref[:, :] = (jnp.sum(per_row) / (B * N)).reshape(1, 1)


def _gather_body(s_hbm, pos_hbm, neg_hbm, out_hbm, pv_hbm,
                 s_v, pos_v, neg_v, out_v, pv_v, sem):
    nc = plsc.get_sparse_core_info().num_cores
    wid = lax.axis_index("s") * nc + lax.axis_index("c")
    b = wid // SLABS_PER_B
    p0 = (wid % SLABS_PER_B) * SLAB

    c1 = pltpu.make_async_copy(s_hbm.at[b, pl.ds(p0, SLAB)], s_v, sem)
    c2 = pltpu.make_async_copy(neg_hbm.at[b, pl.ds(p0, SLAB)], neg_v, sem)
    c3 = pltpu.make_async_copy(pos_hbm.at[pl.ds(b * NSTRIDE + p0, SLAB)],
                               pos_v.at[pl.ds(0, SLAB)], sem)
    c1.start()
    c2.start()
    c3.start()
    c1.wait()
    c2.wait()
    c3.wait()

    @plsc.parallel_loop(0, SLAB, unroll=4)
    def _(r):
        ridx = jnp.full((16,), r, jnp.int32)
        for g in range(K // 16):
            cols = neg_v[r, pl.ds(g * 16, 16)]
            out_v[pl.ds(r * K + g * 16, 16)] = plsc.load_gather(s_v, [ridx, cols])

    lanes = lax.iota(jnp.int32, 16)
    for t in range((SLAB + 15) // 16):
        rows = lanes + t * 16
        ok = rows < SLAB
        rows_c = jnp.where(ok, rows, 0)
        pc = jnp.where(ok, pos_v[pl.ds(t * 16, 16)], 0)
        pv_v[pl.ds(t * 16, 16)] = plsc.load_gather(s_v, [rows_c, pc])

    base = b * NSTRIDE + p0
    c4 = pltpu.make_async_copy(out_v, out_hbm.at[pl.ds(base * K, SLAB * K)], sem)
    c5 = pltpu.make_async_copy(pv_v.at[pl.ds(0, SLAB)],
                               pv_hbm.at[pl.ds(base, SLAB)], sem)
    c4.start()
    c5.start()
    c4.wait()
    c5.wait()


@functools.cache
def _gather_call():
    return pl.kernel(
        _gather_body,
        mesh=plsc.VectorSubcoreMesh(core_axis_name="c", subcore_axis_name="s"),
        out_type=(jax.ShapeDtypeStruct((OUT_LEN * K,), jnp.float32),
                  jax.ShapeDtypeStruct((OUT_LEN,), jnp.float32)),
        scratch_types=[
            pltpu.VMEM((SLAB, N), jnp.float32),
            pltpu.VMEM((64,), jnp.int32),
            pltpu.VMEM((SLAB, K), jnp.int32),
            pltpu.VMEM((SLAB * K,), jnp.float32),
            pltpu.VMEM((64,), jnp.float32),
            pltpu.SemaphoreType.DMA,
        ],
        compiler_params=pltpu.CompilerParams(needs_layout_passes=False),
    )


def kernel(q, k, positive_indices, negative_indices):
    s, neg, pos = pl.pallas_call(
        _sim_body,
        out_shape=(jax.ShapeDtypeStruct((B, NSTRIDE, N), jnp.float32),
                   jax.ShapeDtypeStruct((B, NSTRIDE, K), jnp.int32),
                   jax.ShapeDtypeStruct((OUT_LEN,), jnp.int32)),
    )(jnp.transpose(q, (1, 0, 2)), jnp.transpose(k, (1, 0, 2)),
      jnp.transpose(negative_indices.astype(jnp.int32), (1, 0, 2)),
      positive_indices.astype(jnp.int32))

    negs, pv = _gather_call()(s, pos, neg)

    loss = pl.pallas_call(
        _loss_body,
        out_shape=jax.ShapeDtypeStruct((1, 1), jnp.float32),
    )(negs.reshape(OUT_LEN, K), pv)
    return loss[0, 0]

# --- scband reference (transcript-rebuilt; emitter-appended) ---
"""Pipeline reference for scband-info-nceloss-86371792322729 (READ-ONLY COPY).

The authoritative reference and input builder live on the scoring server;
editing this copy changes nothing except your own understanding.
"""

import jax, jax.numpy as jnp
import numpy as np

TEMPERATURE = 0.07

def _l2_normalize(x, axis=-1, eps=1e-12):
    norm = jnp.linalg.norm(x, axis=axis, keepdims=True)
    return x / jnp.maximum(norm, eps)

def setup_inputs(seed: int = 0) -> dict:
    key = jax.random.key(seed)
    k1, k2, k3, k4 = jax.random.split(key, 4)
    B, N, C, K = 8, 196, 384, 128
    q = jax.random.normal(k1, (B, N, C), dtype=jnp.float32)
    k = jax.random.normal(k2, (B, N, C), dtype=jnp.float32)
    positive_indices = jax.random.randint(k3, (B, N), 0, N, dtype=jnp.int64) if jax.config.jax_enable_x64 else jax.random.randint(k3, (B, N), 0, N, dtype=jnp.int32)
    negative_indices = jax.random.randint(k4, (B, N, K), 0, N, dtype=jnp.int64) if jax.config.jax_enable_x64 else jax.random.randint(k4, (B, N, K), 0, N, dtype=jnp.int32)
    return {"q": q, "k": k, "positive_indices": positive_indices, "negative_indices": negative_indices}

def reference(q, k, positive_indices, negative_indices):
    # Faithful vectorization of the per-(b,p) loop. All positive_indices are >= 0
    # (no -1 sentinel in the generated inputs), so every patch is valid.
    qn = _l2_normalize(q, axis=-1)
    kn = _l2_normalize(k, axis=-1)
    # positive features: kn[b, positive_indices[b, p]] -> [B, N, C]
    pos_feat = jnp.take_along_axis(kn, positive_indices[..., None], axis=1)
    # negative features: kn[b, negative_indices[b, p, :]] -> [B, N, K, C]
    neg_feat = jax.vmap(lambda kb, ib: kb[ib])(kn, negative_indices)
    pos_sim = jnp.sum(qn * pos_feat, axis=-1) / TEMPERATURE          # [B, N]
    neg_sim = jnp.einsum('bnc,bnkc->bnk', qn, neg_feat) / TEMPERATURE  # [B, N, K]
    logits = jnp.concatenate([pos_sim[..., None], neg_sim], axis=-1)  # [B, N, 1+K]
    # cross-entropy with label 0: logsumexp(logits) - logits[..., 0]
    per_patch_loss = jax.scipy.special.logsumexp(logits, axis=-1) - logits[..., 0]
    return jnp.mean(per_patch_loss)

if __name__ == "__main__":
    import jax
    _d = setup_inputs()
    print(jax.jit(kernel)(*tuple(_d.values())))

</pallas_src>

<mosaic_0001>
#map = affine_map<(d0, d1) -> (0, 0, 0)>
#map1 = affine_map<(d0, d1) -> (0)>
module attributes {stable_mosaic.version = 14 : i64} {
  func.func @_gather_body(%arg0: i32, %arg1: i32, %arg2: memref<8x224x196xf32, #tpu.memory_space<hbm>>, %arg3: memref<1792xi32, #tpu.memory_space<hbm>>, %arg4: memref<8x224x128xi32, #tpu.memory_space<hbm>>, %arg5: memref<229376xf32, #tpu.memory_space<hbm>>, %arg6: memref<1792xf32, #tpu.memory_space<hbm>>, %arg7: memref<56x196xf32, #tpu.memory_space<vmem>>, %arg8: memref<64xi32, #tpu.memory_space<vmem>>, %arg9: memref<56x128xi32, #tpu.memory_space<vmem>>, %arg10: memref<7168xf32, #tpu.memory_space<vmem>>, %arg11: memref<64xf32, #tpu.memory_space<vmem>>, %arg12: memref<!tpu.dma_semaphore, #tpu.memory_space<semaphore_mem>>) attributes {dimension_semantics = [#tpu.dimension_semantics<core_parallel>, #tpu.dimension_semantics<subcore_parallel>], iteration_bounds = array<i64: 2, 16>, scalar_prefetch = 0 : i64, scratch_operands = 6 : i64, tpu.core_type = #tpu.core_type<sc_vector_subcore>, window_params = [{transform_indices = #map}, {transform_indices = #map1}, {transform_indices = #map}, {transform_indices = #map1}, {transform_indices = #map1}]} {
    %mul3A = arith.constant 2 : i32
    %mul3A_0 = arith.muli %arg1, %mul3A : i32
    %add3A = arith.addi %mul3A_0, %arg0 : i32
    %jit3A = arith.constant 4 : i32
    %div3A = arith.divsi %add3A, %jit3A : i32
    %sign3A = arith.constant 0 : i32
    %sign3A_1 = arith.cmpi sgt, %add3A, %sign3A : i32
    %sign3A_2 = arith.extui %sign3A_1 : i1 to i32
    %sign3A_3 = arith.constant 0 : i32
    %sign3A_4 = arith.cmpi slt, %add3A, %sign3A_3 : i32
    %sign3A_5 = arith.extui %sign3A_4 : i1 to i32
    %sign3A_6 = arith.subi %sign3A_2, %sign3A_5 : i32
    %sign3A_7 = arith.constant 0 : i32
    %sign3A_8 = arith.cmpi sgt, %jit3A, %sign3A_7 : i32
    %sign3A_9 = arith.extui %sign3A_8 : i1 to i32
    %sign3A_10 = arith.constant 0 : i32
    %sign3A_11 = arith.cmpi slt, %jit3A, %sign3A_10 : i32
    %sign3A_12 = arith.extui %sign3A_11 : i1 to i32
    %sign3A_13 = arith.subi %sign3A_9, %sign3A_12 : i32
    %ne3A = arith.cmpi ne, %sign3A_6, %sign3A_13 : i32
    %rem3A = arith.remsi %add3A, %jit3A : i32
    %ne3A_14 = arith.constant 0 : i32
    %ne3A_15 = arith.cmpi ne, %rem3A, %ne3A_14 : i32
    %and3A = arith.andi %ne3A, %ne3A_15 : i1
    %sub3A = arith.constant 1 : i32
    %sub3A_16 = arith.subi %div3A, %sub3A : i32
    %select_n3A = arith.select %and3A, %sub3A_16, %div3A : i32
    %jit3A_17 = arith.constant 4 : i32
    %eq3A = arith.constant 0 : i32
    %eq3A_18 = arith.cmpi eq, %jit3A_17, %eq3A : i32
    %jit3A_19 = arith.constant 1 : i32
    %select_n3A_20 = arith.select %eq3A_18, %jit3A_19, %jit3A_17 : i32
    %rem3A_21 = arith.remsi %add3A, %select_n3A_20 : i32
    %ne3A_22 = arith.constant 0 : i32
    %ne3A_23 = arith.cmpi ne, %rem3A_21, %ne3A_22 : i32
    %lt3A = arith.constant 0 : i32
    %lt3A_24 = arith.cmpi slt, %rem3A_21, %lt3A : i32
    %lt3A_25 = arith.constant 0 : i32
    %lt3A_26 = arith.cmpi slt, %select_n3A_20, %lt3A_25 : i32
    %ne3A_27 = arith.xori %lt3A_24, %lt3A_26 : i1
    %and3A_28 = arith.andi %ne3A_27, %ne3A_23 : i1
    %add3A_29 = arith.addi %rem3A_21, %select_n3A_20 : i32
    %select_n3A_30 = arith.select %and3A_28, %add3A_29, %rem3A_21 : i32
    %mul3A_31 = arith.constant 56 : i32
    %mul3A_32 = arith.muli %select_n3A_30, %mul3A_31 : i32
    %mul3A_33 = arith.constant 224 : i32
    %mul3A_34 = arith.muli %select_n3A, %mul3A_33 : i32
    %add3A_35 = arith.addi %mul3A_34, %mul3A_32 : i32
    %dma_start3A = arith.constant 0 : i32
    %dma_start3A_36 = tpu.memref_slice %arg2[%select_n3A, %mul3A_32, %dma_start3A] : memref<8x224x196xf32, #tpu.memory_space<hbm>> -> memref<1x56x196xf32, #tpu.memory_space<hbm>>
    %dma_start3A_37 = tpu.memref_squeeze %dma_start3A_36 : memref<1x56x196xf32, #tpu.memory_space<hbm>> -> memref<56x196xf32, #tpu.memory_space<hbm>>
    %dma_start3A_38 = arith.constant 0 : i32
    %dma_start3A_39 = tpu.memref_slice %arg2[%select_n3A, %mul3A_32, %dma_start3A_38] : memref<8x224x196xf32, #tpu.memory_space<hbm>> -> memref<1x56x196xf32, #tpu.memory_space<hbm>>
    %dma_start3A_40 = tpu.memref_squeeze %dma_start3A_39 : memref<1x56x196xf32, #tpu.memory_space<hbm>> -> memref<56x196xf32, #tpu.memory_space<hbm>>
    tpu.enqueue_dma source(%dma_start3A_40 : memref<56x196xf32, #tpu.memory_space<hbm>>) target(%arg7 : memref<56x196xf32, #tpu.memory_space<vmem>>) target_semaphore(%arg12 : memref<!tpu.dma_semaphore, #tpu.memory_space<semaphore_mem>>)
    %dma_start3A_41 = arith.constant 0 : i32
    %dma_start3A_42 = tpu.memref_slice %arg4[%select_n3A, %mul3A_32, %dma_start3A_41] : memref<8x224x128xi32, #tpu.memory_space<hbm>> -> memref<1x56x128xi32, #tpu.memory_space<hbm>>
    %dma_start3A_43 = tpu.memref_squeeze %dma_start3A_42 : memref<1x56x128xi32, #tpu.memory_space<hbm>> -> memref<56x128xi32, #tpu.memory_space<hbm>>
    %dma_start3A_44 = arith.constant 0 : i32
    %dma_start3A_45 = tpu.memref_slice %arg4[%select_n3A, %mul3A_32, %dma_start3A_44] : memref<8x224x128xi32, #tpu.memory_space<hbm>> -> memref<1x56x128xi32, #tpu.memory_space<hbm>>
    %dma_start3A_46 = tpu.memref_squeeze %dma_start3A_45 : memref<1x56x128xi32, #tpu.memory_space<hbm>> -> memref<56x128xi32, #tpu.memory_space<hbm>>
    tpu.enqueue_dma source(%dma_start3A_46 : memref<56x128xi32, #tpu.memory_space<hbm>>) target(%arg9 : memref<56x128xi32, #tpu.memory_space<vmem>>) target_semaphore(%arg12 : memref<!tpu.dma_semaphore, #tpu.memory_space<semaphore_mem>>)
    %dma_start3A_47 = arith.constant 0 : i32
    %dma_start3A_48 = tpu.memref_slice %arg8[%dma_start3A_47] : memref<64xi32, #tpu.memory_space<vmem>> -> memref<56xi32, #tpu.memory_space<vmem>>
    %dma_start3A_49 = tpu.memref_slice %arg3[%add3A_35] : memref<1792xi32, #tpu.memory_space<hbm>> -> memref<56xi32, #tpu.memory_space<hbm>>
    %dma_start3A_50 = arith.constant 0 : i32
    %dma_start3A_51 = tpu.memref_slice %arg8[%dma_start3A_50] : memref<64xi32, #tpu.memory_space<vmem>> -> memref<56xi32, #tpu.memory_space<vmem>>
    %dma_start3A_52 = tpu.memref_slice %arg3[%add3A_35] : memref<1792xi32, #tpu.memory_space<hbm>> -> memref<56xi32, #tpu.memory_space<hbm>>
    tpu.enqueue_dma source(%dma_start3A_52 : memref<56xi32, #tpu.memory_space<hbm>>) target(%dma_start3A_51 : memref<56xi32, #tpu.memory_space<vmem>>) target_semaphore(%arg12 : memref<!tpu.dma_semaphore, #tpu.memory_space<semaphore_mem>>)
    %dma_wait3A = arith.constant 0 : i32
    %dma_wait3A_53 = tpu.memref_slice %arg2[%select_n3A, %mul3A_32, %dma_wait3A] : memref<8x224x196xf32, #tpu.memory_space<hbm>> -> memref<1x56x196xf32, #tpu.memory_space<hbm>>
    %dma_wait3A_54 = tpu.memref_squeeze %dma_wait3A_53 : memref<1x56x196xf32, #tpu.memory_space<hbm>> -> memref<56x196xf32, #tpu.memory_space<hbm>>
    %dma_wait3A_55 = arith.constant 0 : i32
    %dma_wait3A_56 = tpu.memref_slice %arg2[%select_n3A, %mul3A_32, %dma_wait3A_55] : memref<8x224x196xf32, #tpu.memory_space<hbm>> -> memref<1x56x196xf32, #tpu.memory_space<hbm>>
    %dma_wait3A_57 = tpu.memref_squeeze %dma_wait3A_56 : memref<1x56x196xf32, #tpu.memory_space<hbm>> -> memref<56x196xf32, #tpu.memory_space<hbm>>
    tpu.wait_dma2 semaphore(%arg12 : memref<!tpu.dma_semaphore, #tpu.memory_space<semaphore_mem>>) src(%dma_wait3A_57 : memref<56x196xf32, #tpu.memory_space<hbm>>) dst(%arg7 : memref<56x196xf32, #tpu.memory_space<vmem>>)
    %dma_wait3A_58 = arith.constant 0 : i32
    %dma_wait3A_59 = tpu.memref_slice %arg4[%select_n3A, %mul3A_32, %dma_wait3A_58] : memref<8x224x128xi32, #tpu.memory_space<hbm>> -> memref<1x56x128xi32, #tpu.memory_space<hbm>>
    %dma_wait3A_60 = tpu.memref_squeeze %dma_wait3A_59 : memref<1x56x128xi32, #tpu.memory_space<hbm>> -> memref<56x128xi32, #tpu.memory_space<hbm>>
    %dma_wait3A_61 = arith.constant 0 : i32
    %dma_wait3A_62 = tpu.memref_slice %arg4[%select_n3A, %mul3A_32, %dma_wait3A_61] : memref<8x224x128xi32, #tpu.memory_space<hbm>> -> memref<1x56x128xi32, #tpu.memory_space<hbm>>
    %dma_wait3A_63 = tpu.memref_squeeze %dma_wait3A_62 : memref<1x56x128xi32, #tpu.memory_space<hbm>> -> memref<56x128xi32, #tpu.memory_space<hbm>>
    tpu.wait_dma2 semaphore(%arg12 : memref<!tpu.dma_semaphore, #tpu.memory_space<semaphore_mem>>) src(%dma_wait3A_63 : memref<56x128xi32, #tpu.memory_space<hbm>>) dst(%arg9 : memref<56x128xi32, #tpu.memory_space<vmem>>)
    %dma_wait3A_64 = arith.constant 0 : i32
    %dma_wait3A_65 = tpu.memref_slice %arg8[%dma_wait3A_64] : memref<64xi32, #tpu.memory_space<vmem>> -> memref<56xi32, #tpu.memory_space<vmem>>
    %dma_wait3A_66 = tpu.memref_slice %arg3[%add3A_35] : memref<1792xi32, #tpu.memory_space<hbm>> -> memref<56xi32, #tpu.memory_space<hbm>>
    %dma_wait3A_67 = arith.constant 0 : i32
    %dma_wait3A_68 = tpu.memref_slice %arg8[%dma_wait3A_67] : memref<64xi32, #tpu.memory_space<vmem>> -> memref<56xi32, #tpu.memory_space<vmem>>
    %dma_wait3A_69 = tpu.memref_slice %arg3[%add3A_35] : memref<1792xi32, #tpu.memory_space<hbm>> -> memref<56xi32, #tpu.memory_space<hbm>>
    tpu.wait_dma2 semaphore(%arg12 : memref<!tpu.dma_semaphore, #tpu.memory_space<semaphore_mem>>) src(%dma_wait3A_69 : memref<56xi32, #tpu.memory_space<hbm>>) dst(%dma_wait3A_68 : memref<56xi32, #tpu.memory_space<vmem>>)
    %parallel_loop3A = arith.constant 0 : i32
    %parallel_loop3A_70 = arith.constant 56 : i32
    %parallel_loop3A_71 = arith.constant 1 : i32
    scf.for %parallel_loop3A_157 = %parallel_loop3A to %parallel_loop3A_70 step %parallel_loop3A_71  : i32 {
      %parallel_loop3A_158 = vector.broadcast %parallel_loop3A_157 : i32 to vector<16xi32>
      %parallel_loop3A_159 = arith.index_cast %parallel_loop3A_157 : i32 to index
      %parallel_loop3A_160 = arith.constant 0 : index
      %parallel_loop3A_161 = tpu.vector_load %arg9[%parallel_loop3A_159, %parallel_loop3A_160] {strides = array<i32>} : memref<56x128xi32, #tpu.memory_space<vmem>>, vector<16xi32>,
      %parallel_loop3A_162 = tpu.vector_load_idx %arg7[%parallel_loop3A_158, %parallel_loop3A_161] : memref<56x196xf32, #tpu.memory_space<vmem>>[vector<16xi32>, vector<16xi32>], vector<16xf32>,
      %parallel_loop3A_163 = arith.constant 128 : i32
      %parallel_loop3A_164 = arith.muli %parallel_loop3A_157, %parallel_loop3A_163 : i32
      %parallel_loop3A_165 = arith.constant 0 : i32
      %parallel_loop3A_166 = arith.addi %parallel_loop3A_164, %parallel_loop3A_165 : i32
      %parallel_loop3A_167 = arith.index_cast %parallel_loop3A_166 : i32 to index
      %parallel_loop3A_168 = tpu.vector_load %arg10[%parallel_loop3A_167] {strides = array<i32>} : memref<7168xf32, #tpu.memory_space<vmem>>, vector<16xf32>,
      tpu.vector_store %arg10[%parallel_loop3A_167], %parallel_loop3A_162 {strides = array<i32>} : memref<7168xf32, #tpu.memory_space<vmem>>, vector<16xf32>,
      %parallel_loop3A_169 = arith.index_cast %parallel_loop3A_157 : i32 to index
      %parallel_loop3A_170 = arith.constant 16 : index
      %parallel_loop3A_171 = tpu.vector_load %arg9[%parallel_loop3A_169, %parallel_loop3A_170] {strides = array<i32>} : memref<56x128xi32, #tpu.memory_space<vmem>>, vector<16xi32>,
      %parallel_loop3A_172 = tpu.vector_load_idx %arg7[%parallel_loop3A_158, %parallel_loop3A_171] : memref<56x196xf32, #tpu.memory_space<vmem>>[vector<16xi32>, vector<16xi32>], vector<16xf32>,
      %parallel_loop3A_173 = arith.constant 128 : i32
      %parallel_loop3A_174 = arith.muli %parallel_loop3A_157, %parallel_loop3A_173 : i32
      %parallel_loop3A_175 = arith.constant 16 : i32
      %parallel_loop3A_176 = arith.addi %parallel_loop3A_174, %parallel_loop3A_175 : i32
      %parallel_loop3A_177 = arith.index_cast %parallel_loop3A_176 : i32 to index
      %parallel_loop3A_178 = tpu.vector_load %arg10[%parallel_loop3A_177] {strides = array<i32>} : memref<7168xf32, #tpu.memory_space<vmem>>, vector<16xf32>,
      tpu.vector_store %arg10[%parallel_loop3A_177], %parallel_loop3A_172 {strides = array<i32>} : memref<7168xf32, #tpu.memory_space<vmem>>, vector<16xf32>,
      %parallel_loop3A_179 = arith.index_cast %parallel_loop3A_157 : i32 to index
      %parallel_loop3A_180 = arith.constant 32 : index
      %parallel_loop3A_181 = tpu.vector_load %arg9[%parallel_loop3A_179, %parallel_loop3A_180] {strides = array<i32>} : memref<56x128xi32, #tpu.memory_space<vmem>>, vector<16xi32>,
      %parallel_loop3A_182 = tpu.vector_load_idx %arg7[%parallel_loop3A_158, %parallel_loop3A_181] : memref<56x196xf32, #tpu.memory_space<vmem>>[vector<16xi32>, vector<16xi32>], vector<16xf32>,
      %parallel_loop3A_183 = arith.constant 128 : i32
      %parallel_loop3A_184 = arith.muli %parallel_loop3A_157, %parallel_loop3A_183 : i32
      %parallel_loop3A_185 = arith.constant 32 : i32
      %parallel_loop3A_186 = arith.addi %parallel_loop3A_184, %parallel_loop3A_185 : i32
      %parallel_loop3A_187 = arith.index_cast %parallel_loop3A_186 : i32 to index
      %parallel_loop3A_188 = tpu.vector_load %arg10[%parallel_loop3A_187] {strides = array<i32>} : memref<7168xf32, #tpu.memory_space<vmem>>, vector<16xf32>,
      tpu.vector_store %arg10[%parallel_loop3A_187], %parallel_loop3A_182 {strides = array<i32>} : memref<7168xf32, #tpu.memory_space<vmem>>, vector<16xf32>,
      %parallel_loop3A_189 = arith.index_cast %parallel_loop3A_157 : i32 to index
      %parallel_loop3A_190 = arith.constant 48 : index
      %parallel_loop3A_191 = tpu.vector_load %arg9[%parallel_loop3A_189, %parallel_loop3A_190] {strides = array<i32>} : memref<56x128xi32, #tpu.memory_space<vmem>>, vector<16xi32>,
      %parallel_loop3A_192 = tpu.vector_load_idx %arg7[%parallel_loop3A_158, %parallel_loop3A_191] : memref<56x196xf32, #tpu.memory_space<vmem>>[vector<16xi32>, vector<16xi32>], vector<16xf32>,
      %parallel_loop3A_193 = arith.constant 128 : i32
      %parallel_loop3A_194 = arith.muli %parallel_loop3A_157, %parallel_loop3A_193 : i32
      %parallel_loop3A_195 = arith.constant 48 : i32
      %parallel_loop3A_196 = arith.addi %parallel_loop3A_194, %parallel_loop3A_195 : i32
      %parallel_loop3A_197 = arith.index_cast %parallel_loop3A_196 : i32 to index
      %parallel_loop3A_198 = tpu.vector_load %arg10[%parallel_loop3A_197] {strides = array<i32>} : memref<7168xf32, #tpu.memory_space<vmem>>, vector<16xf32>,
      tpu.vector_store %arg10[%parallel_loop3A_197], %parallel_loop3A_192 {strides = array<i32>} : memref<7168xf32, #tpu.memory_space<vmem>>, vector<16xf32>,
      %parallel_loop3A_199 = arith.index_cast %parallel_loop3A_157 : i32 to index
      %parallel_loop3A_200 = arith.constant 64 : index
      %parallel_loop3A_201 = tpu.vector_load %arg9[%parallel_loop3A_199, %parallel_loop3A_200] {strides = array<i32>} : memref<56x128xi32, #tpu.memory_space<vmem>>, vector<16xi32>,
      %parallel_loop3A_202 = tpu.vector_load_idx %arg7[%parallel_loop3A_158, %parallel_loop3A_201] : memref<56x196xf32, #tpu.memory_space<vmem>>[vector<16xi32>, vector<16xi32>], vector<16xf32>,
      %parallel_loop3A_203 = arith.constant 128 : i32
      %parallel_loop3A_204 = arith.muli %parallel_loop3A_157, %parallel_loop3A_203 : i32
      %parallel_loop3A_205 = arith.constant 64 : i32
      %parallel_loop3A_206 = arith.addi %parallel_loop3A_204, %parallel_loop3A_205 : i32
      %parallel_loop3A_207 = arith.index_cast %parallel_loop3A_206 : i32 to index
      %parallel_loop3A_208 = tpu.vector_load %arg10[%parallel_loop3A_207] {strides = array<i32>} : memref<7168xf32, #tpu.memory_space<vmem>>, vector<16xf32>,
      tpu.vector_store %arg10[%parallel_loop3A_207], %parallel_loop3A_202 {strides = array<i32>} : memref<7168xf32, #tpu.memory_space<vmem>>, vector<16xf32>,
      %parallel_loop3A_209 = arith.index_cast %parallel_loop3A_157 : i32 to index
      %parallel_loop3A_210 = arith.constant 80 : index
      %parallel_loop3A_211 = tpu.vector_load %arg9[%parallel_loop3A_209, %parallel_loop3A_210] {strides = array<i32>} : memref<56x128xi32, #tpu.memory_space<vmem>>, vector<16xi32>,
      %parallel_loop3A_212 = tpu.vector_load_idx %arg7[%parallel_loop3A_158, %parallel_loop3A_211] : memref<56x196xf32, #tpu.memory_space<vmem>>[vector<16xi32>, vector<16xi32>], vector<16xf32>,
      %parallel_loop3A_213 = arith.constant 128 : i32
      %parallel_loop3A_214 = arith.muli %parallel_loop3A_157, %parallel_loop3A_213 : i32
      %parallel_loop3A_215 = arith.constant 80 : i32
      %parallel_loop3A_216 = arith.addi %parallel_loop3A_214, %parallel_loop3A_215 : i32
      %parallel_loop3A_217 = arith.index_cast %parallel_loop3A_216 : i32 to index
      %parallel_loop3A_218 = tpu.vector_load %arg10[%parallel_loop3A_217] {strides = array<i32>} : memref<7168xf32, #tpu.memory_space<vmem>>, vector<16xf32>,
      tpu.vector_store %arg10[%parallel_loop3A_217], %parallel_loop3A_212 {strides = array<i32>} : memref<7168xf32, #tpu.memory_space<vmem>>, vector<16xf32>,
      %parallel_loop3A_219 = arith.index_cast %parallel_loop3A_157 : i32 to index
      %parallel_loop3A_220 = arith.constant 96 : index
      %parallel_loop3A_221 = tpu.vector_load %arg9[%parallel_loop3A_219, %parallel_loop3A_220] {strides = array<i32>} : memref<56x128xi32, #tpu.memory_space<vmem>>, vector<16xi32>,
      %parallel_loop3A_222 = tpu.vector_load_idx %arg7[%parallel_loop3A_158, %parallel_loop3A_221] : memref<56x196xf32, #tpu.memory_space<vmem>>[vector<16xi32>, vector<16xi32>], vector<16xf32>,
      %parallel_loop3A_223 = arith.constant 128 : i32
      %parallel_loop3A_224 = arith.muli %parallel_loop3A_157, %parallel_loop3A_223 : i32
      %parallel_loop3A_225 = arith.constant 96 : i32
      %parallel_loop3A_226 = arith.addi %parallel_loop3A_224, %parallel_loop3A_225 : i32
      %parallel_loop3A_227 = arith.index_cast %parallel_loop3A_226 : i32 to index
      %parallel_loop3A_228 = tpu.vector_load %arg10[%parallel_loop3A_227] {strides = array<i32>} : memref<7168xf32, #tpu.memory_space<vmem>>, vector<16xf32>,
      tpu.vector_store %arg10[%parallel_loop3A_227], %parallel_loop3A_222 {strides = array<i32>} : memref<7168xf32, #tpu.memory_space<vmem>>, vector<16xf32>,
      %parallel_loop3A_229 = arith.index_cast %parallel_loop3A_157 : i32 to index
      %parallel_loop3A_230 = arith.constant 112 : index
      %parallel_loop3A_231 = tpu.vector_load %arg9[%parallel_loop3A_229, %parallel_loop3A_230] {strides = array<i32>} : memref<56x128xi32, #tpu.memory_space<vmem>>, vector<16xi32>,
      %parallel_loop3A_232 = tpu.vector_load_idx %arg7[%parallel_loop3A_158, %parallel_loop3A_231] : memref<56x196xf32, #tpu.memory_space<vmem>>[vector<16xi32>, vector<16xi32>], vector<16xf32>,
      %parallel_loop3A_233 = arith.constant 128 : i32
      %parallel_loop3A_234 = arith.muli %parallel_loop3A_157, %parallel_loop3A_233 : i32
      %parallel_loop3A_235 = arith.constant 112 : i32
      %parallel_loop3A_236 = arith.addi %parallel_loop3A_234, %parallel_loop3A_235 : i32
      %parallel_loop3A_237 = arith.index_cast %parallel_loop3A_236 : i32 to index
      %parallel_loop3A_238 = tpu.vector_load %arg10[%parallel_loop3A_237] {strides = array<i32>} : memref<7168xf32, #tpu.memory_space<vmem>>, vector<16xf32>,
      tpu.vector_store %arg10[%parallel_loop3A_237], %parallel_loop3A_232 {strides = array<i32>} : memref<7168xf32, #tpu.memory_space<vmem>>, vector<16xf32>,
    } {sc.loop_unroll_factor = 4 : i64, sc.parallel_access}
    %iota3A = tpu.iota {dimensions = array<i32: 0>} : vector<16xi32>
    %add3A_72 = arith.constant 0 : i32
    %add3A_73 = vector.broadcast %add3A_72 : i32 to vector<16xi32>
    %add3A_74 = arith.addi %iota3A, %add3A_73 : vector<16xi32>
    %lt3A_75 = arith.constant 56 : i32
    %lt3A_76 = vector.broadcast %lt3A_75 : i32 to vector<16xi32>
    %lt3A_77 = arith.cmpi slt, %add3A_74, %lt3A_76 : vector<16xi32>
    %jit3A_78 = arith.constant 0 : i32
    %broadcast_in_dim3A = vector.broadcast %jit3A_78 : i32 to vector<16xi32>
    %select_n3A_79 = arith.select %lt3A_77, %add3A_74, %broadcast_in_dim3A : vector<16xi1>, vector<16xi32>
    %get3A = arith.constant 0 : index
    %get3A_80 = tpu.vector_load %arg8[%get3A] {strides = array<i32>} : memref<64xi32, #tpu.memory_space<vmem>>, vector<16xi32>,
    %jit3A_81 = arith.constant 0 : i32
    %broadcast_in_dim3A_82 = vector.broadcast %jit3A_81 : i32 to vector<16xi32>
    %select_n3A_83 = arith.select %lt3A_77, %get3A_80, %broadcast_in_dim3A_82 : vector<16xi1>, vector<16xi32>
    %gather3A = tpu.vector_load_idx %arg7[%select_n3A_79, %select_n3A_83] : memref<56x196xf32, #tpu.memory_space<vmem>>[vector<16xi32>, vector<16xi32>], vector<16xf32>,
    %swap3A = arith.constant 0 : index
    %swap3A_84 = tpu.vector_load %arg11[%swap3A] {strides = array<i32>} : memref<64xf32, #tpu.memory_space<vmem>>, vector<16xf32>,
    tpu.vector_store %arg11[%swap3A], %gather3A {strides = array<i32>} : memref<64xf32, #tpu.memory_space<vmem>>, vector<16xf32>,
    %add3A_85 = arith.constant 16 : i32
    %add3A_86 = vector.broadcast %add3A_85 : i32 to vector<16xi32>
    %add3A_87 = arith.addi %iota3A, %add3A_86 : vector<16xi32>
    %lt3A_88 = arith.constant 56 : i32
    %lt3A_89 = vector.broadcast %lt3A_88 : i32 to vector<16xi32>
    %lt3A_90 = arith.cmpi slt, %add3A_87, %lt3A_89 : vector<16xi32>
    %jit3A_91 = arith.constant 0 : i32
    %broadcast_in_dim3A_92 = vector.broadcast %jit3A_91 : i32 to vector<16xi32>
    %select_n3A_93 = arith.select %lt3A_90, %add3A_87, %broadcast_in_dim3A_92 : vector<16xi1>, vector<16xi32>
    %get3A_94 = arith.constant 16 : index
    %get3A_95 = tpu.vector_load %arg8[%get3A_94] {strides = array<i32>} : memref<64xi32, #tpu.memory_space<vmem>>, vector<16xi32>,
    %jit3A_96 = arith.constant 0 : i32
    %broadcast_in_dim3A_97 = vector.broadcast %jit3A_96 : i32 to vector<16xi32>
    %select_n3A_98 = arith.select %lt3A_90, %get3A_95, %broadcast_in_dim3A_97 : vector<16xi1>, vector<16xi32>
    %gather3A_99 = tpu.vector_load_idx %arg7[%select_n3A_93, %select_n3A_98] : memref<56x196xf32, #tpu.memory_space<vmem>>[vector<16xi32>, vector<16xi32>], vector<16xf32>,
    %swap3A_100 = arith.constant 16 : index
    %swap3A_101 = tpu.vector_load %arg11[%swap3A_100] {strides = array<i32>} : memref<64xf32, #tpu.memory_space<vmem>>, vector<16xf32>,
    tpu.vector_store %arg11[%swap3A_100], %gather3A_99 {strides = array<i32>} : memref<64xf32, #tpu.memory_space<vmem>>, vector<16xf32>,
    %add3A_102 = arith.constant 32 : i32
    %add3A_103 = vector.broadcast %add3A_102 : i32 to vector<16xi32>
    %add3A_104 = arith.addi %iota3A, %add3A_103 : vector<16xi32>
    %lt3A_105 = arith.constant 56 : i32
    %lt3A_106 = vector.broadcast %lt3A_105 : i32 to vector<16xi32>
    %lt3A_107 = arith.cmpi slt, %add3A_104, %lt3A_106 : vector<16xi32>
    %jit3A_108 = arith.constant 0 : i32
    %broadcast_in_dim3A_109 = vector.broadcast %jit3A_108 : i32 to vector<16xi32>
    %select_n3A_110 = arith.select %lt3A_107, %add3A_104, %broadcast_in_dim3A_109 : vector<16xi1>, vector<16xi32>
    %get3A_111 = arith.constant 32 : index
    %get3A_112 = tpu.vector_load %arg8[%get3A_111] {strides = array<i32>} : memref<64xi32, #tpu.memory_space<vmem>>, vector<16xi32>,
    %jit3A_113 = arith.constant 0 : i32
    %broadcast_in_dim3A_114 = vector.broadcast %jit3A_113 : i32 to vector<16xi32>
    %select_n3A_115 = arith.select %lt3A_107, %get3A_112, %broadcast_in_dim3A_114 : vector<16xi1>, vector<16xi32>
    %gather3A_116 = tpu.vector_load_idx %arg7[%select_n3A_110, %select_n3A_115] : memref<56x196xf32, #tpu.memory_space<vmem>>[vector<16xi32>, vector<16xi32>], vector<16xf32>,
    %swap3A_117 = arith.constant 32 : index
    %swap3A_118 = tpu.vector_load %arg11[%swap3A_117] {strides = array<i32>} : memref<64xf32, #tpu.memory_space<vmem>>, vector<16xf32>,
    tpu.vector_store %arg11[%swap3A_117], %gather3A_116 {strides = array<i32>} : memref<64xf32, #tpu.memory_space<vmem>>, vector<16xf32>,
    %add3A_119 = arith.constant 48 : i32
    %add3A_120 = vector.broadcast %add3A_119 : i32 to vector<16xi32>
    %add3A_121 = arith.addi %iota3A, %add3A_120 : vector<16xi32>
    %lt3A_122 = arith.constant 56 : i32
    %lt3A_123 = vector.broadcast %lt3A_122 : i32 to vector<16xi32>
    %lt3A_124 = arith.cmpi slt, %add3A_121, %lt3A_123 : vector<16xi32>
    %jit3A_125 = arith.constant 0 : i32
    %broadcast_in_dim3A_126 = vector.broadcast %jit3A_125 : i32 to vector<16xi32>
    %select_n3A_127 = arith.select %lt3A_124, %add3A_121, %broadcast_in_dim3A_126 : vector<16xi1>, vector<16xi32>
    %get3A_128 = arith.constant 48 : index
    %get3A_129 = tpu.vector_load %arg8[%get3A_128] {strides = array<i32>} : memref<64xi32, #tpu.memory_space<vmem>>, vector<16xi32>,
    %jit3A_130 = arith.constant 0 : i32
    %broadcast_in_dim3A_131 = vector.broadcast %jit3A_130 : i32 to vector<16xi32>
    %select_n3A_132 = arith.select %lt3A_124, %get3A_129, %broadcast_in_dim3A_131 : vector<16xi1>, vector<16xi32>
    %gather3A_133 = tpu.vector_load_idx %arg7[%select_n3A_127, %select_n3A_132] : memref<56x196xf32, #tpu.memory_space<vmem>>[vector<16xi32>, vector<16xi32>], vector<16xf32>,
    %swap3A_134 = arith.constant 48 : index
    %swap3A_135 = tpu.vector_load %arg11[%swap3A_134] {strides = array<i32>} : memref<64xf32, #tpu.memory_space<vmem>>, vector<16xf32>,
    tpu.vector_store %arg11[%swap3A_134], %gather3A_133 {strides = array<i32>} : memref<64xf32, #tpu.memory_space<vmem>>, vector<16xf32>,
    %mul3A_136 = arith.constant 224 : i32
    %mul3A_137 = arith.muli %select_n3A, %mul3A_136 : i32
    %add3A_138 = arith.addi %mul3A_137, %mul3A_32 : i32
    %mul3A_139 = arith.constant 128 : i32
    %mul3A_140 = arith.muli %add3A_138, %mul3A_139 : i32
    %dma_start3A_141 = tpu.memref_slice %arg5[%mul3A_140] : memref<229376xf32, #tpu.memory_space<hbm>> -> memref<7168xf32, #tpu.memory_space<hbm>>
    %dma_start3A_142 = tpu.memref_slice %arg5[%mul3A_140] : memref<229376xf32, #tpu.memory_space<hbm>> -> memref<7168xf32, #tpu.memory_space<hbm>>
    tpu.enqueue_dma source(%arg10 : memref<7168xf32, #tpu.memory_space<vmem>>) target(%dma_start3A_142 : memref<7168xf32, #tpu.memory_space<hbm>>) target_semaphore(%arg12 : memref<!tpu.dma_semaphore, #tpu.memory_space<semaphore_mem>>)
    %dma_start3A_143 = arith.constant 0 : i32
    %dma_start3A_144 = tpu.memref_slice %arg11[%dma_start3A_143] : memref<64xf32, #tpu.memory_space<vmem>> -> memref<56xf32, #tpu.memory_space<vmem>>
    %dma_start3A_145 = tpu.memref_slice %arg6[%add3A_138] : memref<1792xf32, #tpu.memory_space<hbm>> -> memref<56xf32, #tpu.memory_space<hbm>>
    %dma_start3A_146 = tpu.memref_slice %arg6[%add3A_138] : memref<1792xf32, #tpu.memory_space<hbm>> -> memref<56xf32, #tpu.memory_space<hbm>>
    %dma_start3A_147 = arith.constant 0 : i32
    %dma_start3A_148 = tpu.memref_slice %arg11[%dma_start3A_147] : memref<64xf32, #tpu.memory_space<vmem>> -> memref<56xf32, #tpu.memory_space<vmem>>
    tpu.enqueue_dma source(%dma_start3A_148 : memref<56xf32, #tpu.memory_space<vmem>>) target(%dma_start3A_146 : memref<56xf32, #tpu.memory_space<hbm>>) target_semaphore(%arg12 : memref<!tpu.dma_semaphore, #tpu.memory_space<semaphore_mem>>)
    %dma_wait3A_149 = tpu.memref_slice %arg5[%mul3A_140] : memref<229376xf32, #tpu.memory_space<hbm>> -> memref<7168xf32, #tpu.memory_space<hbm>>
    %dma_wait3A_150 = tpu.memref_slice %arg5[%mul3A_140] : memref<229376xf32, #tpu.memory_space<hbm>> -> memref<7168xf32, #tpu.memory_space<hbm>>
    tpu.wait_dma2 semaphore(%arg12 : memref<!tpu.dma_semaphore, #tpu.memory_space<semaphore_mem>>) src(%arg10 : memref<7168xf32, #tpu.memory_space<vmem>>) dst(%dma_wait3A_150 : memref<7168xf32, #tpu.memory_space<hbm>>)
    %dma_wait3A_151 = arith.constant 0 : i32
    %dma_wait3A_152 = tpu.memref_slice %arg11[%dma_wait3A_151] : memref<64xf32, #tpu.memory_space<vmem>> -> memref<56xf32, #tpu.memory_space<vmem>>
    %dma_wait3A_153 = tpu.memref_slice %arg6[%add3A_138] : memref<1792xf32, #tpu.memory_space<hbm>> -> memref<56xf32, #tpu.memory_space<hbm>>
    %dma_wait3A_154 = tpu.memref_slice %arg6[%add3A_138] : memref<1792xf32, #tpu.memory_space<hbm>> -> memref<56xf32, #tpu.memory_space<hbm>>
    %dma_wait3A_155 = arith.constant 0 : i32
    %dma_wait3A_156 = tpu.memref_slice %arg11[%dma_wait3A_155] : memref<64xf32, #tpu.memory_space<vmem>> -> memref<56xf32, #tpu.memory_space<vmem>>
    tpu.wait_dma2 semaphore(%arg12 : memref<!tpu.dma_semaphore, #tpu.memory_space<semaphore_mem>>) src(%dma_wait3A_156 : memref<56xf32, #tpu.memory_space<vmem>>) dst(%dma_wait3A_154 : memref<56xf32, #tpu.memory_space<hbm>>)
    return
  }
}

module attributes {stable_mosaic.version = 14 : i64} {
  func.func @_sim_body(%arg0: memref<196x8x384xf32, #tpu.memory_space<vmem>>, %arg1: memref<196x8x384xf32, #tpu.memory_space<vmem>>, %arg2: memref<196x8x128xi32, #tpu.memory_space<vmem>>, %arg3: memref<8x196xi32, #tpu.memory_space<vmem>>, %arg4: memref<8x224x196xf32, #tpu.memory_space<vmem>>, %arg5: memref<8x224x128xi32, #tpu.memory_space<vmem>>, %arg6: memref<1792xi32, #tpu.memory_space<vmem>>) attributes {dimension_semantics = [], scalar_prefetch = 0 : i64, scratch_operands = 0 : i64, tpu.core_type = #tpu.core_type<tc>} {
    %get3A = arith.constant 0 : index
    %get3A_0 = arith.constant 0 : index
    %get3A_1 = arith.constant 0 : index
    %get3A_2 = vector.load %arg0[%get3A, %get3A_0, %get3A_1] : memref<196x8x384xf32, #tpu.memory_space<vmem>>, vector<196x1x384xf32>
    %get3A_3 = vector.shape_cast %get3A_2 : vector<196x1x384xf32> to vector<196x384xf32>
    %get3A_4 = arith.constant 0 : index
    %get3A_5 = arith.constant 0 : index
    %get3A_6 = arith.constant 0 : index
    %get3A_7 = vector.load %arg1[%get3A_4, %get3A_5, %get3A_6] : memref<196x8x384xf32, #tpu.memory_space<vmem>>, vector<196x1x384xf32>
    %get3A_8 = vector.shape_cast %get3A_7 : vector<196x1x384xf32> to vector<196x384xf32>
    %mul3A = arith.mulf %get3A_3, %get3A_3 : vector<196x384xf32>
    %reduce_sum3A = arith.constant dense<0.000000e+00> : vector<196xf32>
    %reduce_sum3A_9 = vector.multi_reduction <add>, %mul3A, %reduce_sum3A [1] : vector<196x384xf32> to vector<196xf32>
    %broadcast_in_dim3A = vector.shape_cast %reduce_sum3A_9 : vector<196xf32> to vector<196x1xf32>
    %sqrt3A = math.sqrt %broadcast_in_dim3A : vector<196x1xf32>
    %max3A = arith.constant 9.99999996E-13 : f32
    %max3A_10 = vector.broadcast %max3A : f32 to vector<196x1xf32>
    %max3A_11 = arith.maximumf %sqrt3A, %max3A_10 : vector<196x1xf32>
    %div3A = vector.broadcast %max3A_11 : vector<196x1xf32> to vector<196x384xf32>
    %div3A_12 = arith.divf %get3A_3, %div3A : vector<196x384xf32>
    %mul3A_13 = arith.mulf %get3A_8, %get3A_8 : vector<196x384xf32>
    %reduce_sum3A_14 = arith.constant dense<0.000000e+00> : vector<196xf32>
    %reduce_sum3A_15 = vector.multi_reduction <add>, %mul3A_13, %reduce_sum3A_14 [1] : vector<196x384xf32> to vector<196xf32>
    %broadcast_in_dim3A_16 = vector.shape_cast %reduce_sum3A_15 : vector<196xf32> to vector<196x1xf32>
    %sqrt3A_17 = math.sqrt %broadcast_in_dim3A_16 : vector<196x1xf32>
    %max3A_18 = arith.constant 9.99999996E-13 : f32
    %max3A_19 = vector.broadcast %max3A_18 : f32 to vector<196x1xf32>
    %max3A_20 = arith.maximumf %sqrt3A_17, %max3A_19 : vector<196x1xf32>
    %div3A_21 = vector.broadcast %max3A_20 : vector<196x1xf32> to vector<196x384xf32>
    %div3A_22 = arith.divf %get3A_8, %div3A_21 : vector<196x384xf32>
    %dot_general3A = arith.constant dense<0.000000e+00> : vector<196x196xf32>
    %dot_general3A_23 = tpu.matmul %div3A_12, %div3A_22, %dot_general3A {dimension_numbers = #tpu.dot_dimension_numbers<[1], [1], [0], [0], [0, 0, 1, 0], [], []>, transpose_lhs_hint = false} : vector<196x384xf32>, vector<196x384xf32>, vector<196x196xf32> -> vector<196x196xf32>
    %div3A_24 = arith.constant 7.000000e-02 : f32
    %div3A_25 = vector.broadcast %div3A_24 : f32 to vector<196x196xf32>
    %div3A_26 = arith.divf %dot_general3A_23, %div3A_25 : vector<196x196xf32>
    %swap3A = arith.constant 0 : index
    %swap3A_27 = arith.constant 0 : index
    %swap3A_28 = arith.constant 0 : index
    %swap3A_29 = vector.load %arg4[%swap3A, %swap3A_27, %swap3A_28] : memref<8x224x196xf32, #tpu.memory_space<vmem>>, vector<1x196x196xf32>
    %swap3A_30 = vector.shape_cast %swap3A_29 : vector<1x196x196xf32> to vector<196x196xf32>
    %swap3A_31 = vector.shape_cast %div3A_26 : vector<196x196xf32> to vector<1x196x196xf32>
    tpu.vector_store %arg4[%swap3A, %swap3A_27, %swap3A_28], %swap3A_31 {strides = array<i32>} : memref<8x224x196xf32, #tpu.memory_space<vmem>>, vector<1x196x196xf32>,
    %broadcast_in_dim3A_32 = arith.constant 0 : i32
    %broadcast_in_dim3A_33 = vector.broadcast %broadcast_in_dim3A_32 : i32 to vector<32x128xi32>
    %swap3A_34 = arith.constant 0 : index
    %swap3A_35 = arith.constant 192 : index
    %swap3A_36 = arith.constant 0 : index
    %swap3A_37 = vector.load %arg5[%swap3A_34, %swap3A_35, %swap3A_36] : memref<8x224x128xi32, #tpu.memory_space<vmem>>, vector<1x32x128xi32>
    %swap3A_38 = vector.shape_cast %swap3A_37 : vector<1x32x128xi32> to vector<32x128xi32>
    %swap3A_39 = vector.shape_cast %broadcast_in_dim3A_33 : vector<32x128xi32> to vector<1x32x128xi32>
    tpu.vector_store %arg5[%swap3A_34, %swap3A_35, %swap3A_36], %swap3A_39 {strides = array<i32>} : memref<8x224x128xi32, #tpu.memory_space<vmem>>, vector<1x32x128xi32>,
    %get3A_40 = arith.constant 0 : index
    %get3A_41 = arith.constant 0 : index
    %get3A_42 = arith.constant 0 : index
    %get3A_43 = vector.load %arg2[%get3A_40, %get3A_41, %get3A_42] : memref<196x8x128xi32, #tpu.memory_space<vmem>>, vector<196x1x128xi32>
    %get3A_44 = vector.shape_cast %get3A_43 : vector<196x1x128xi32> to vector<196x128xi32>
    %swap3A_45 = arith.constant 0 : index
    %swap3A_46 = arith.constant 0 : index
    %swap3A_47 = arith.constant 0 : index
    %swap3A_48 = vector.load %arg5[%swap3A_45, %swap3A_46, %swap3A_47] : memref<8x224x128xi32, #tpu.memory_space<vmem>>, vector<1x196x128xi32>
    %swap3A_49 = vector.shape_cast %swap3A_48 : vector<1x196x128xi32> to vector<196x128xi32>
    %swap3A_50 = vector.shape_cast %get3A_44 : vector<196x128xi32> to vector<1x196x128xi32>
    tpu.vector_store %arg5[%swap3A_45, %swap3A_46, %swap3A_47], %swap3A_50 {strides = array<i32>} : memref<8x224x128xi32, #tpu.memory_space<vmem>>, vector<1x196x128xi32>,
    %broadcast_in_dim3A_51 = arith.constant 0 : i32
    %broadcast_in_dim3A_52 = vector.broadcast %broadcast_in_dim3A_51 : i32 to vector<32xi32>
    %swap3A_53 = arith.constant 192 : index
    %swap3A_54 = vector.load %arg6[%swap3A_53] : memref<1792xi32, #tpu.memory_space<vmem>>, vector<32xi32>
    tpu.vector_store %arg6[%swap3A_53], %broadcast_in_dim3A_52 {strides = array<i32>} : memref<1792xi32, #tpu.memory_space<vmem>>, vector<32xi32>,
    %get3A_55 = arith.constant 0 : index
    %get3A_56 = arith.constant 0 : index
    %get3A_57 = vector.load %arg3[%get3A_55, %get3A_56] : memref<8x196xi32, #tpu.memory_space<vmem>>, vector<1x196xi32>
    %get3A_58 = vector.shape_cast %get3A_57 : vector<1x196xi32> to vector<196xi32>
    %swap3A_59 = arith.constant 0 : index
    %swap3A_60 = vector.load %arg6[%swap3A_59] : memref<1792xi32, #tpu.memory_space<vmem>>, vector<196xi32>
    tpu.vector_store %arg6[%swap3A_59], %get3A_58 {strides = array<i32>} : memref<1792xi32, #tpu.memory_space<vmem>>, vector<196xi32>,
    %get3A_61 = arith.constant 0 : index
    %get3A_62 = arith.constant 1 : index
    %get3A_63 = arith.constant 0 : index
    %get3A_64 = vector.load %arg0[%get3A_61, %get3A_62, %get3A_63] : memref<196x8x384xf32, #tpu.memory_space<vmem>>, vector<196x1x384xf32>
    %get3A_65 = vector.shape_cast %get3A_64 : vector<196x1x384xf32> to vector<196x384xf32>
    %get3A_66 = arith.constant 0 : index
    %get3A_67 = arith.constant 1 : index
    %get3A_68 = arith.constant 0 : index
    %get3A_69 = vector.load %arg1[%get3A_66, %get3A_67, %get3A_68] : memref<196x8x384xf32, #tpu.memory_space<vmem>>, vector<196x1x384xf32>
    %get3A_70 = vector.shape_cast %get3A_69 : vector<196x1x384xf32> to vector<196x384xf32>
    %mul3A_71 = arith.mulf %get3A_65, %get3A_65 : vector<196x384xf32>
    %reduce_sum3A_72 = arith.constant dense<0.000000e+00> : vector<196xf32>
    %reduce_sum3A_73 = vector.multi_reduction <add>, %mul3A_71, %reduce_sum3A_72 [1] : vector<196x384xf32> to vector<196xf32>
    %broadcast_in_dim3A_74 = vector.shape_cast %reduce_sum3A_73 : vector<196xf32> to vector<196x1xf32>
    %sqrt3A_75 = math.sqrt %broadcast_in_dim3A_74 : vector<196x1xf32>
    %max3A_76 = arith.constant 9.99999996E-13 : f32
    %max3A_77 = vector.broadcast %max3A_76 : f32 to vector<196x1xf32>
    %max3A_78 = arith.maximumf %sqrt3A_75, %max3A_77 : vector<196x1xf32>
    %div3A_79 = vector.broadcast %max3A_78 : vector<196x1xf32> to vector<196x384xf32>
    %div3A_80 = arith.divf %get3A_65, %div3A_79 : vector<196x384xf32>
    %mul3A_81 = arith.mulf %get3A_70, %get3A_70 : vector<196x384xf32>
    %reduce_sum3A_82 = arith.constant dense<0.000000e+00> : vector<196xf32>
    %reduce_sum3A_83 = vector.multi_reduction <add>, %mul3A_81, %reduce_sum3A_82 [1] : vector<196x384xf32> to vector<196xf32>
    %broadcast_in_dim3A_84 = vector.shape_cast %reduce_sum3A_83 : vector<196xf32> to vector<196x1xf32>
    %sqrt3A_85 = math.sqrt %broadcast_in_dim3A_84 : vector<196x1xf32>
    %max3A_86 = arith.constant 9.99999996E-13 : f32
    %max3A_87 = vector.broadcast %max3A_86 : f32 to vector<196x1xf32>
    %max3A_88 = arith.maximumf %sqrt3A_85, %max3A_87 : vector<196x1xf32>
    %div3A_89 = vector.broadcast %max3A_88 : vector<196x1xf32> to vector<196x384xf32>
    %div3A_90 = arith.divf %get3A_70, %div3A_89 : vector<196x384xf32>
    %dot_general3A_91 = arith.constant dense<0.000000e+00> : vector<196x196xf32>
    %dot_general3A_92 = tpu.matmul %div3A_80, %div3A_90, %dot_general3A_91 {dimension_numbers = #tpu.dot_dimension_numbers<[1], [1], [0], [0], [0, 0, 1, 0], [], []>, transpose_lhs_hint = false} : vector<196x384xf32>, vector<196x384xf32>, vector<196x196xf32> -> vector<196x196xf32>
    %div3A_93 = arith.constant 7.000000e-02 : f32
    %div3A_94 = vector.broadcast %div3A_93 : f32 to vector<196x196xf32>
    %div3A_95 = arith.divf %dot_general3A_92, %div3A_94 : vector<196x196xf32>
    %swap3A_96 = arith.constant 1 : index
    %swap3A_97 = arith.constant 0 : index
    %swap3A_98 = arith.constant 0 : index
    %swap3A_99 = vector.load %arg4[%swap3A_96, %swap3A_97, %swap3A_98] : memref<8x224x196xf32, #tpu.memory_space<vmem>>, vector<1x196x196xf32>
    %swap3A_100 = vector.shape_cast %swap3A_99 : vector<1x196x196xf32> to vector<196x196xf32>
    %swap3A_101 = vector.shape_cast %div3A_95 : vector<196x196xf32> to vector<1x196x196xf32>
    tpu.vector_store %arg4[%swap3A_96, %swap3A_97, %swap3A_98], %swap3A_101 {strides = array<i32>} : memref<8x224x196xf32, #tpu.memory_space<vmem>>, vector<1x196x196xf32>,
    %broadcast_in_dim3A_102 = arith.constant 0 : i32
    %broadcast_in_dim3A_103 = vector.broadcast %broadcast_in_dim3A_102 : i32 to vector<32x128xi32>
    %swap3A_104 = arith.constant 1 : index
    %swap3A_105 = arith.constant 192 : index
    %swap3A_106 = arith.constant 0 : index
    %swap3A_107 = vector.load %arg5[%swap3A_104, %swap3A_105, %swap3A_106] : memref<8x224x128xi32, #tpu.memory_space<vmem>>, vector<1x32x128xi32>
    %swap3A_108 = vector.shape_cast %swap3A_107 : vector<1x32x128xi32> to vector<32x128xi32>
    %swap3A_109 = vector.shape_cast %broadcast_in_dim3A_103 : vector<32x128xi32> to vector<1x32x128xi32>
    tpu.vector_store %arg5[%swap3A_104, %swap3A_105, %swap3A_106], %swap3A_109 {strides = array<i32>} : memref<8x224x128xi32, #tpu.memory_space<vmem>>, vector<1x32x128xi32>,
    %get3A_110 = arith.constant 0 : index
    %get3A_111 = arith.constant 1 : index
    %get3A_112 = arith.constant 0 : index
    %get3A_113 = vector.load %arg2[%get3A_110, %get3A_111, %get3A_112] : memref<196x8x128xi32, #tpu.memory_space<vmem>>, vector<196x1x128xi32>
    %get3A_114 = vector.shape_cast %get3A_113 : vector<196x1x128xi32> to vector<196x128xi32>
    %swap3A_115 = arith.constant 1 : index
    %swap3A_116 = arith.constant 0 : index
    %swap3A_117 = arith.constant 0 : index
    %swap3A_118 = vector.load %arg5[%swap3A_115, %swap3A_116, %swap3A_117] : memref<8x224x128xi32, #tpu.memory_space<vmem>>, vector<1x196x128xi32>
    %swap3A_119 = vector.shape_cast %swap3A_118 : vector<1x196x128xi32> to vector<196x128xi32>
    %swap3A_120 = vector.shape_cast %get3A_114 : vector<196x128xi32> to vector<1x196x128xi32>
    tpu.vector_store %arg5[%swap3A_115, %swap3A_116, %swap3A_117], %swap3A_120 {strides = array<i32>} : memref<8x224x128xi32, #tpu.memory_space<vmem>>, vector<1x196x128xi32>,
    %broadcast_in_dim3A_121 = arith.constant 0 : i32
    %broadcast_in_dim3A_122 = vector.broadcast %broadcast_in_dim3A_121 : i32 to vector<32xi32>
    %swap3A_123 = arith.constant 416 : index
    %swap3A_124 = vector.load %arg6[%swap3A_123] : memref<1792xi32, #tpu.memory_space<vmem>>, vector<32xi32>
    tpu.vector_store %arg6[%swap3A_123], %broadcast_in_dim3A_122 {strides = array<i32>} : memref<1792xi32, #tpu.memory_space<vmem>>, vector<32xi32>,
    %get3A_125 = arith.constant 1 : index
    %get3A_126 = arith.constant 0 : index
    %get3A_127 = vector.load %arg3[%get3A_125, %get3A_126] : memref<8x196xi32, #tpu.memory_space<vmem>>, vector<1x196xi32>
    %get3A_128 = vector.shape_cast %get3A_127 : vector<1x196xi32> to vector<196xi32>
    %swap3A_129 = arith.constant 224 : index
    %swap3A_130 = vector.load %arg6[%swap3A_129] : memref<1792xi32, #tpu.memory_space<vmem>>, vector<196xi32>
    tpu.vector_store %arg6[%swap3A_129], %get3A_128 {strides = array<i32>} : memref<1792xi32, #tpu.memory_space<vmem>>, vector<196xi32>,
    %get3A_131 = arith.constant 0 : index
    %get3A_132 = arith.constant 2 : index
    %get3A_133 = arith.constant 0 : index
    %get3A_134 = vector.load %arg0[%get3A_131, %get3A_132, %get3A_133] : memref<196x8x384xf32, #tpu.memory_space<vmem>>, vector<196x1x384xf32>
    %get3A_135 = vector.shape_cast %get3A_134 : vector<196x1x384xf32> to vector<196x384xf32>
    %get3A_136 = arith.constant 0 : index
    %get3A_137 = arith.constant 2 : index
    %get3A_138 = arith.constant 0 : index
    %get3A_139 = vector.load %arg1[%get3A_136, %get3A_137, %get3A_138] : memref<196x8x384xf32, #tpu.memory_space<vmem>>, vector<196x1x384xf32>
    %get3A_140 = vector.shape_cast %get3A_139 : vector<196x1x384xf32> to vector<196x384xf32>
    %mul3A_141 = arith.mulf %get3A_135, %get3A_135 : vector<196x384xf32>
    %reduce_sum3A_142 = arith.constant dense<0.000000e+00> : vector<196xf32>
    %reduce_sum3A_143 = vector.multi_reduction <add>, %mul3A_141, %reduce_sum3A_142 [1] : vector<196x384xf32> to vector<196xf32>
    %broadcast_in_dim3A_144 = vector.shape_cast %reduce_sum3A_143 : vector<196xf32> to vector<196x1xf32>
    %sqrt3A_145 = math.sqrt %broadcast_in_dim3A_144 : vector<196x1xf32>
    %max3A_146 = arith.constant 9.99999996E-13 : f32
    %max3A_147 = vector.broadcast %max3A_146 : f32 to vector<196x1xf32>
    %max3A_148 = arith.maximumf %sqrt3A_145, %max3A_147 : vector<196x1xf32>
    %div3A_149 = vector.broadcast %max3A_148 : vector<196x1xf32> to vector<196x384xf32>
    %div3A_150 = arith.divf %get3A_135, %div3A_149 : vector<196x384xf32>
    %mul3A_151 = arith.mulf %get3A_140, %get3A_140 : vector<196x384xf32>
    %reduce_sum3A_152 = arith.constant dense<0.000000e+00> : vector<196xf32>
    %reduce_sum3A_153 = vector.multi_reduction <add>, %mul3A_151, %reduce_sum3A_152 [1] : vector<196x384xf32> to vector<196xf32>
    %broadcast_in_dim3A_154 = vector.shape_cast %reduce_sum3A_153 : vector<196xf32> to vector<196x1xf32>
    %sqrt3A_155 = math.sqrt %broadcast_in_dim3A_154 : vector<196x1xf32>
    %max3A_156 = arith.constant 9.99999996E-13 : f32
    %max3A_157 = vector.broadcast %max3A_156 : f32 to vector<196x1xf32>
    %max3A_158 = arith.maximumf %sqrt3A_155, %max3A_157 : vector<196x1xf32>
    %div3A_159 = vector.broadcast %max3A_158 : vector<196x1xf32> to vector<196x384xf32>
    %div3A_160 = arith.divf %get3A_140, %div3A_159 : vector<196x384xf32>
    %dot_general3A_161 = arith.constant dense<0.000000e+00> : vector<196x196xf32>
    %dot_general3A_162 = tpu.matmul %div3A_150, %div3A_160, %dot_general3A_161 {dimension_numbers = #tpu.dot_dimension_numbers<[1], [1], [0], [0], [0, 0, 1, 0], [], []>, transpose_lhs_hint = false} : vector<196x384xf32>, vector<196x384xf32>, vector<196x196xf32> -> vector<196x196xf32>
    %div3A_163 = arith.constant 7.000000e-02 : f32
    %div3A_164 = vector.broadcast %div3A_163 : f32 to vector<196x196xf32>
    %div3A_165 = arith.divf %dot_general3A_162, %div3A_164 : vector<196x196xf32>
    %swap3A_166 = arith.constant 2 : index
    %swap3A_167 = arith.constant 0 : index
    %swap3A_168 = arith.constant 0 : index
    %swap3A_169 = vector.load %arg4[%swap3A_166, %swap3A_167, %swap3A_168] : memref<8x224x196xf32, #tpu.memory_space<vmem>>, vector<1x196x196xf32>
    %swap3A_170 = vector.shape_cast %swap3A_169 : vector<1x196x196xf32> to vector<196x196xf32>
    %swap3A_171 = vector.shape_cast %div3A_165 : vector<196x196xf32> to vector<1x196x196xf32>
    tpu.vector_store %arg4[%swap3A_166, %swap3A_167, %swap3A_168], %swap3A_171 {strides = array<i32>} : memref<8x224x196xf32, #tpu.memory_space<vmem>>, vector<1x196x196xf32>,
    %broadcast_in_dim3A_172 = arith.constant 0 : i32
    %broadcast_in_dim3A_173 = vector.broadcast %broadcast_in_dim3A_172 : i32 to vector<32x128xi32>
    %swap3A_174 = arith.constant 2 : index
    %swap3A_175 = arith.constant 192 : index
    %swap3A_176 = arith.constant 0 : index
    %swap3A_177 = vector.load %arg5[%swap3A_174, %swap3A_175, %swap3A_176] : memref<8x224x128xi32, #tpu.memory_space<vmem>>, vector<1x32x128xi32>
    %swap3A_178 = vector.shape_cast %swap3A_177 : vector<1x32x128xi32> to vector<32x128xi32>
    %swap3A_179 = vector.shape_cast %broadcast_in_dim3A_173 : vector<32x128xi32> to vector<1x32x128xi32>
    tpu.vector_store %arg5[%swap3A_174, %swap3A_175, %swap3A_176], %swap3A_179 {strides = array<i32>} : memref<8x224x128xi32, #tpu.memory_space<vmem>>, vector<1x32x128xi32>,
    %get3A_180 = arith.constant 0 : index
    %get3A_181 = arith.constant 2 : index
    %get3A_182 = arith.constant 0 : index
    %get3A_183 = vector.load %arg2[%get3A_180, %get3A_181, %get3A_182] : memref<196x8x128xi32, #tpu.memory_space<vmem>>, vector<196x1x128xi32>
    %get3A_184 = vector.shape_cast %get3A_183 : vector<196x1x128xi32> to vector<196x128xi32>
    %swap3A_185 = arith.constant 2 : index
    %swap3A_186 = arith.constant 0 : index
    %swap3A_187 = arith.constant 0 : index
    %swap3A_188 = vector.load %arg5[%swap3A_185, %swap3A_186, %swap3A_187] : memref<8x224x128xi32, #tpu.memory_space<vmem>>, vector<1x196x128xi32>
    %swap3A_189 = vector.shape_cast %swap3A_188 : vector<1x196x128xi32> to vector<196x128xi32>
    %swap3A_190 = vector.shape_cast %get3A_184 : vector<196x128xi32> to vector<1x196x128xi32>
    tpu.vector_store %arg5[%swap3A_185, %swap3A_186, %swap3A_187], %swap3A_190 {strides = array<i32>} : memref<8x224x128xi32, #tpu.memory_space<vmem>>, vector<1x196x128xi32>,
    %broadcast_in_dim3A_191 = arith.constant 0 : i32
    %broadcast_in_dim3A_192 = vector.broadcast %broadcast_in_dim3A_191 : i32 to vector<32xi32>
    %swap3A_193 = arith.constant 640 : index
    %swap3A_194 = vector.load %arg6[%swap3A_193] : memref<1792xi32, #tpu.memory_space<vmem>>, vector<32xi32>
    tpu.vector_store %arg6[%swap3A_193], %broadcast_in_dim3A_192 {strides = array<i32>} : memref<1792xi32, #tpu.memory_space<vmem>>, vector<32xi32>,
    %get3A_195 = arith.constant 2 : index
    %get3A_196 = arith.constant 0 : index
    %get3A_197 = vector.load %arg3[%get3A_195, %get3A_196] : memref<8x196xi32, #tpu.memory_space<vmem>>, vector<1x196xi32>
    %get3A_198 = vector.shape_cast %get3A_197 : vector<1x196xi32> to vector<196xi32>
    %swap3A_199 = arith.constant 448 : index
    %swap3A_200 = vector.load %arg6[%swap3A_199] : memref<1792xi32, #tpu.memory_space<vmem>>, vector<196xi32>
    tpu.vector_store %arg6[%swap3A_199], %get3A_198 {strides = array<i32>} : memref<1792xi32, #tpu.memory_space<vmem>>, vector<196xi32>,
    %get3A_201 = arith.constant 0 : index
    %get3A_202 = arith.constant 3 : index
    %get3A_203 = arith.constant 0 : index
    %get3A_204 = vector.load %arg0[%get3A_201, %get3A_202, %get3A_203] : memref<196x8x384xf32, #tpu.memory_space<vmem>>, vector<196x1x384xf32>
    %get3A_205 = vector.shape_cast %get3A_204 : vector<196x1x384xf32> to vector<196x384xf32>
    %get3A_206 = arith.constant 0 : index
    %get3A_207 = arith.constant 3 : index
    %get3A_208 = arith.constant 0 : index
    %get3A_209 = vector.load %arg1[%get3A_206, %get3A_207, %get3A_208] : memref<196x8x384xf32, #tpu.memory_space<vmem>>, vector<196x1x384xf32>
    %get3A_210 = vector.shape_cast %get3A_209 : vector<196x1x384xf32> to vector<196x384xf32>
    %mul3A_211 = arith.mulf %get3A_205, %get3A_205 : vector<196x384xf32>
    %reduce_sum3A_212 = arith.constant dense<0.000000e+00> : vector<196xf32>
    %reduce_sum3A_213 = vector.multi_reduction <add>, %mul3A_211, %reduce_sum3A_212 [1] : vector<196x384xf32> to vector<196xf32>
    %broadcast_in_dim3A_214 = vector.shape_cast %reduce_sum3A_213 : vector<196xf32> to vector<196x1xf32>
    %sqrt3A_215 = math.sqrt %broadcast_in_dim3A_214 : vector<196x1xf32>
    %max3A_216 = arith.constant 9.99999996E-13 : f32
    %max3A_217 = vector.broadcast %max3A_216 : f32 to vector<196x1xf32>
    %max3A_218 = arith.maximumf %sqrt3A_215, %max3A_217 : vector<196x1xf32>
    %div3A_219 = vector.broadcast %max3A_218 : vector<196x1xf32> to vector<196x384xf32>
    %div3A_220 = arith.divf %get3A_205, %div3A_219 : vector<196x384xf32>
    %mul3A_221 = arith.mulf %get3A_210, %get3A_210 : vector<196x384xf32>
    %reduce_sum3A_222 = arith.constant dense<0.000000e+00> : vector<196xf32>
    %reduce_sum3A_223 = vector.multi_reduction <add>, %mul3A_221, %reduce_sum3A_222 [1] : vector<196x384xf32> to vector<196xf32>
    %broadcast_in_dim3A_224 = vector.shape_cast %reduce_sum3A_223 : vector<196xf32> to vector<196x1xf32>
    %sqrt3A_225 = math.sqrt %broadcast_in_dim3A_224 : vector<196x1xf32>
    %max3A_226 = arith.constant 9.99999996E-13 : f32
    %max3A_227 = vector.broadcast %max3A_226 : f32 to vector<196x1xf32>
    %max3A_228 = arith.maximumf %sqrt3A_225, %max3A_227 : vector<196x1xf32>
    %div3A_229 = vector.broadcast %max3A_228 : vector<196x1xf32> to vector<196x384xf32>
    %div3A_230 = arith.divf %get3A_210, %div3A_229 : vector<196x384xf32>
    %dot_general3A_231 = arith.constant dense<0.000000e+00> : vector<196x196xf32>
    %dot_general3A_232 = tpu.matmul %div3A_220, %div3A_230, %dot_general3A_231 {dimension_numbers = #tpu.dot_dimension_numbers<[1], [1], [0], [0], [0, 0, 1, 0], [], []>, transpose_lhs_hint = false} : vector<196x384xf32>, vector<196x384xf32>, vector<196x196xf32> -> vector<196x196xf32>
    %div3A_233 = arith.constant 7.000000e-02 : f32
    %div3A_234 = vector.broadcast %div3A_233 : f32 to vector<196x196xf32>
    %div3A_235 = arith.divf %dot_general3A_232, %div3A_234 : vector<196x196xf32>
    %swap3A_236 = arith.constant 3 : index
    %swap3A_237 = arith.constant 0 : index
    %swap3A_238 = arith.constant 0 : index
    %swap3A_239 = vector.load %arg4[%swap3A_236, %swap3A_237, %swap3A_238] : memref<8x224x196xf32, #tpu.memory_space<vmem>>, vector<1x196x196xf32>
    %swap3A_240 = vector.shape_cast %swap3A_239 : vector<1x196x196xf32> to vector<196x196xf32>
    %swap3A_241 = vector.shape_cast %div3A_235 : vector<196x196xf32> to vector<1x196x196xf32>
    tpu.vector_store %arg4[%swap3A_236, %swap3A_237, %swap3A_238], %swap3A_241 {strides = array<i32>} : memref<8x224x196xf32, #tpu.memory_space<vmem>>, vector<1x196x196xf32>,
    %broadcast_in_dim3A_242 = arith.constant 0 : i32
    %broadcast_in_dim3A_243 = vector.broadcast %broadcast_in_dim3A_242 : i32 to vector<32x128xi32>
    %swap3A_244 = arith.constant 3 : index
    %swap3A_245 = arith.constant 192 : index
    %swap3A_246 = arith.constant 0 : index
    %swap3A_247 = vector.load %arg5[%swap3A_244, %swap3A_245, %swap3A_246] : memref<8x224x128xi32, #tpu.memory_space<vmem>>, vector<1x32x128xi32>
    %swap3A_248 = vector.shape_cast %swap3A_247 : vector<1x32x128xi32> to vector<32x128xi32>
    %swap3A_249 = vector.shape_cast %broadcast_in_dim3A_243 : vector<32x128xi32> to vector<1x32x128xi32>
    tpu.vector_store %arg5[%swap3A_244, %swap3A_245, %swap3A_246], %swap3A_249 {strides = array<i32>} : memref<8x224x128xi32, #tpu.memory_space<vmem>>, vector<1x32x128xi32>,
    %get3A_250 = arith.constant 0 : index
    %get3A_251 = arith.constant 3 : index
    %get3A_252 = arith.constant 0 : index
    %get3A_253 = vector.load %arg2[%get3A_250, %get3A_251, %get3A_252] : memref<196x8x128xi32, #tpu.memory_space<vmem>>, vector<196x1x128xi32>
    %get3A_254 = vector.shape_cast %get3A_253 : vector<196x1x128xi32> to vector<196x128xi32>
    %swap3A_255 = arith.constant 3 : index
    %swap3A_256 = arith.constant 0 : index
    %swap3A_257 = arith.constant 0 : index
    %swap3A_258 = vector.load %arg5[%swap3A_255, %swap3A_256, %swap3A_257] : memref<8x224x128xi32, #tpu.memory_space<vmem>>, vector<1x196x128xi32>
    %swap3A_259 = vector.shape_cast %swap3A_258 : vector<1x196x128xi32> to vector<196x128xi32>
    %swap3A_260 = vector.shape_cast %get3A_254 : vector<196x128xi32> to vector<1x196x128xi32>
    tpu.vector_store %arg5[%swap3A_255, %swap3A_256, %swap3A_257], %swap3A_260 {strides = array<i32>} : memref<8x224x128xi32, #tpu.memory_space<vmem>>, vector<1x196x128xi32>,
    %broadcast_in_dim3A_261 = arith.constant 0 : i32
    %broadcast_in_dim3A_262 = vector.broadcast %broadcast_in_dim3A_261 : i32 to vector<32xi32>
    %swap3A_263 = arith.constant 864 : index
    %swap3A_264 = vector.load %arg6[%swap3A_263] : memref<1792xi32, #tpu.memory_space<vmem>>, vector<32xi32>
    tpu.vector_store %arg6[%swap3A_263], %broadcast_in_dim3A_262 {strides = array<i32>} : memref<1792xi32, #tpu.memory_space<vmem>>, vector<32xi32>,
    %get3A_265 = arith.constant 3 : index
    %get3A_266 = arith.constant 0 : index
    %get3A_267 = vector.load %arg3[%get3A_265, %get3A_266] : memref<8x196xi32, #tpu.memory_space<vmem>>, vector<1x196xi32>
    %get3A_268 = vector.shape_cast %get3A_267 : vector<1x196xi32> to vector<196xi32>
    %swap3A_269 = arith.constant 672 : index
    %swap3A_270 = vector.load %arg6[%swap3A_269] : memref<1792xi32, #tpu.memory_space<vmem>>, vector<196xi32>
    tpu.vector_store %arg6[%swap3A_269], %get3A_268 {strides = array<i32>} : memref<1792xi32, #tpu.memory_space<vmem>>, vector<196xi32>,
    %get3A_271 = arith.constant 0 : index
    %get3A_272 = arith.constant 4 : index
    %get3A_273 = arith.constant 0 : index
    %get3A_274 = vector.load %arg0[%get3A_271, %get3A_272, %get3A_273] : memref<196x8x384xf32, #tpu.memory_space<vmem>>, vector<196x1x384xf32>
    %get3A_275 = vector.shape_cast %get3A_274 : vector<196x1x384xf32> to vector<196x384xf32>
    %get3A_276 = arith.constant 0 : index
    %get3A_277 = arith.constant 4 : index
    %get3A_278 = arith.constant 0 : index
    %get3A_279 = vector.load %arg1[%get3A_276, %get3A_277, %get3A_278] : memref<196x8x384xf32, #tpu.memory_space<vmem>>, vector<196x1x384xf32>
    %get3A_280 = vector.shape_cast %get3A_279 : vector<196x1x384xf32> to vector<196x384xf32>
    %mul3A_281 = arith.mulf %get3A_275, %get3A_275 : vector<196x384xf32>
    %reduce_sum3A_282 = arith.constant dense<0.000000e+00> : vector<196xf32>
    %reduce_sum3A_283 = vector.multi_reduction <add>, %mul3A_281, %reduce_sum3A_282 [1] : vector<196x384xf32> to vector<196xf32>
    %broadcast_in_dim3A_284 = vector.shape_cast %reduce_sum3A_283 : vector<196xf32> to vector<196x1xf32>
    %sqrt3A_285 = math.sqrt %broadcast_in_dim3A_284 : vector<196x1xf32>
    %max3A_286 = arith.constant 9.99999996E-13 : f32
    %max3A_287 = vector.broadcast %max3A_286 : f32 to vector<196x1xf32>
    %max3A_288 = arith.maximumf %sqrt3A_285, %max3A_287 : vector<196x1xf32>
    %div3A_289 = vector.broadcast %max3A_288 : vector<196x1xf32> to vector<196x384xf32>
    %div3A_290 = arith.divf %get3A_275, %div3A_289 : vector<196x384xf32>
    %mul3A_291 = arith.mulf %get3A_280, %get3A_280 : vector<196x384xf32>
    %reduce_sum3A_292 = arith.constant dense<0.000000e+00> : vector<196xf32>
    %reduce_sum3A_293 = vector.multi_reduction <add>, %mul3A_291, %reduce_sum3A_292 [1] : vector<196x384xf32> to vector<196xf32>
    %broadcast_in_dim3A_294 = vector.shape_cast %reduce_sum3A_293 : vector<196xf32> to vector<196x1xf32>
    %sqrt3A_295 = math.sqrt %broadcast_in_dim3A_294 : vector<196x1xf32>
    %max3A_296 = arith.constant 9.99999996E-13 : f32
    %max3A_297 = vector.broadcast %max3A_296 : f32 to vector<196x1xf32>
    %max3A_298 = arith.maximumf %sqrt3A_295, %max3A_297 : vector<196x1xf32>
    %div3A_299 = vector.broadcast %max3A_298 : vector<196x1xf32> to vector<196x384xf32>
    %div3A_300 = arith.divf %get3A_280, %div3A_299 : vector<196x384xf32>
    %dot_general3A_301 = arith.constant dense<0.000000e+00> : vector<196x196xf32>
    %dot_general3A_302 = tpu.matmul %div3A_290, %div3A_300, %dot_general3A_301 {dimension_numbers = #tpu.dot_dimension_numbers<[1], [1], [0], [0], [0, 0, 1, 0], [], []>, transpose_lhs_hint = false} : vector<196x384xf32>, vector<196x384xf32>, vector<196x196xf32> -> vector<196x196xf32>
    %div3A_303 = arith.constant 7.000000e-02 : f32
    %div3A_304 = vector.broadcast %div3A_303 : f32 to vector<196x196xf32>
    %div3A_305 = arith.divf %dot_general3A_302, %div3A_304 : vector<196x196xf32>
    %swap3A_306 = arith.constant 4 : index
    %swap3A_307 = arith.constant 0 : index
    %swap3A_308 = arith.constant 0 : index
    %swap3A_309 = vector.load %arg4[%swap3A_306, %swap3A_307, %swap3A_308] : memref<8x224x196xf32, #tpu.memory_space<vmem>>, vector<1x196x196xf32>
    %swap3A_310 = vector.shape_cast %swap3A_309 : vector<1x196x196xf32> to vector<196x196xf32>
    %swap3A_311 = vector.shape_cast %div3A_305 : vector<196x196xf32> to vector<1x196x196xf32>
    tpu.vector_store %arg4[%swap3A_306, %swap3A_307, %swap3A_308], %swap3A_311 {strides = array<i32>} : memref<8x224x196xf32, #tpu.memory_space<vmem>>, vector<1x196x196xf32>,
    %broadcast_in_dim3A_312 = arith.constant 0 : i32
    %broadcast_in_dim3A_313 = vector.broadcast %broadcast_in_dim3A_312 : i32 to vector<32x128xi32>
    %swap3A_314 = arith.constant 4 : index
    %swap3A_315 = arith.constant 192 : index
    %swap3A_316 = arith.constant 0 : index
    %swap3A_317 = vector.load %arg5[%swap3A_314, %swap3A_315, %swap3A_316] : memref<8x224x128xi32, #tpu.memory_space<vmem>>, vector<1x32x128xi32>
    %swap3A_318 = vector.shape_cast %swap3A_317 : vector<1x32x128xi32> to vector<32x128xi32>
    %swap3A_319 = vector.shape_cast %broadcast_in_dim3A_313 : vector<32x128xi32> to vector<1x32x128xi32>
    tpu.vector_store %arg5[%swap3A_314, %swap3A_315, %swap3A_316], %swap3A_319 {strides = array<i32>} : memref<8x224x128xi32, #tpu.memory_space<vmem>>, vector<1x32x128xi32>,
    %get3A_320 = arith.constant 0 : index
    %get3A_321 = arith.constant 4 : index
    %get3A_322 = arith.constant 0 : index
    %get3A_323 = vector.load %arg2[%get3A_320, %get3A_321, %get3A_322] : memref<196x8x128xi32, #tpu.memory_space<vmem>>, vector<196x1x128xi32>
    %get3A_324 = vector.shape_cast %get3A_323 : vector<196x1x128xi32> to vector<196x128xi32>
    %swap3A_325 = arith.constant 4 : index
    %swap3A_326 = arith.constant 0 : index
    %swap3A_327 = arith.constant 0 : index
    %swap3A_328 = vector.load %arg5[%swap3A_325, %swap3A_326, %swap3A_327] : memref<8x224x128xi32, #tpu.memory_space<vmem>>, vector<1x196x128xi32>
    %swap3A_329 = vector.shape_cast %swap3A_328 : vector<1x196x128xi32> to vector<196x128xi32>
    %swap3A_330 = vector.shape_cast %get3A_324 : vector<196x128xi32> to vector<1x196x128xi32>
    tpu.vector_store %arg5[%swap3A_325, %swap3A_326, %swap3A_327], %swap3A_330 {strides = array<i32>} : memref<8x224x128xi32, #tpu.memory_space<vmem>>, vector<1x196x128xi32>,
    %broadcast_in_dim3A_331 = arith.constant 0 : i32
    %broadcast_in_dim3A_332 = vector.broadcast %broadcast_in_dim3A_331 : i32 to vector<32xi32>
    %swap3A_333 = arith.constant 1088 : index
    %swap3A_334 = vector.load %arg6[%swap3A_333] : memref<1792xi32, #tpu.memory_space<vmem>>, vector<32xi32>
    tpu.vector_store %arg6[%swap3A_333], %broadcast_in_dim3A_332 {strides = array<i32>} : memref<1792xi32, #tpu.memory_space<vmem>>, vector<32xi32>,
    %get3A_335 = arith.constant 4 : index
    %get3A_336 = arith.constant 0 : index
    %get3A_337 = vector.load %arg3[%get3A_335, %get3A_336] : memref<8x196xi32, #tpu.memory_space<vmem>>, vector<1x196xi32>
    %get3A_338 = vector.shape_cast %get3A_337 : vector<1x196xi32> to vector<196xi32>
    %swap3A_339 = arith.constant 896 : index
    %swap3A_340 = vector.load %arg6[%swap3A_339] : memref<1792xi32, #tpu.memory_space<vmem>>, vector<196xi32>
    tpu.vector_store %arg6[%swap3A_339], %get3A_338 {strides = array<i32>} : memref<1792xi32, #tpu.memory_space<vmem>>, vector<196xi32>,
    %get3A_341 = arith.constant 0 : index
    %get3A_342 = arith.constant 5 : index
    %get3A_343 = arith.constant 0 : index
    %get3A_344 = vector.load %arg0[%get3A_341, %get3A_342, %get3A_343] : memref<196x8x384xf32, #tpu.memory_space<vmem>>, vector<196x1x384xf32>
    %get3A_345 = vector.shape_cast %get3A_344 : vector<196x1x384xf32> to vector<196x384xf32>
    %get3A_346 = arith.constant 0 : index
    %get3A_347 = arith.constant 5 : index
    %get3A_348 = arith.constant 0 : index
    %get3A_349 = vector.load %arg1[%get3A_346, %get3A_347, %get3A_348] : memref<196x8x384xf32, #tpu.memory_space<vmem>>, vector<196x1x384xf32>
    %get3A_350 = vector.shape_cast %get3A_349 : vector<196x1x384xf32> to vector<196x384xf32>
    %mul3A_351 = arith.mulf %get3A_345, %get3A_345 : vector<196x384xf32>
    %reduce_sum3A_352 = arith.constant dense<0.000000e+00> : vector<196xf32>
    %reduce_sum3A_353 = vector.multi_reduction <add>, %mul3A_351, %reduce_sum3A_352 [1] : vector<196x384xf32> to vector<196xf32>
    %broadcast_in_dim3A_354 = vector.shape_cast %reduce_sum3A_353 : vector<196xf32> to vector<196x1xf32>
    %sqrt3A_355 = math.sqrt %broadcast_in_dim3A_354 : vector<196x1xf32>
    %max3A_356 = arith.constant 9.99999996E-13 : f32
    %max3A_357 = vector.broadcast %max3A_356 : f32 to vector<196x1xf32>
    %max3A_358 = arith.maximumf %sqrt3A_355, %max3A_357 : vector<196x1xf32>
    %div3A_359 = vector.broadcast %max3A_358 : vector<196x1xf32> to vector<196x384xf32>
    %div3A_360 = arith.divf %get3A_345, %div3A_359 : vector<196x384xf32>
    %mul3A_361 = arith.mulf %get3A_350, %get3A_350 : vector<196x384xf32>
    %reduce_sum3A_362 = arith.constant dense<0.000000e+00> : vector<196xf32>
    %reduce_sum3A_363 = vector.multi_reduction <add>, %mul3A_361, %reduce_sum3A_362 [1] : vector<196x384xf32> to vector<196xf32>
    %broadcast_in_dim3A_364 = vector.shape_cast %reduce_sum3A_363 : vector<196xf32> to vector<196x1xf32>
    %sqrt3A_365 = math.sqrt %broadcast_in_dim3A_364 : vector<196x1xf32>
    %max3A_366 = arith.constant 9.99999996E-13 : f32
    %max3A_367 = vector.broadcast %max3A_366 : f32 to vector<196x1xf32>
    %max3A_368 = arith.maximumf %sqrt3A_365, %max3A_367 : vector<196x1xf32>
    %div3A_369 = vector.broadcast %max3A_368 : vector<196x1xf32> to vector<196x384xf32>
    %div3A_370 = arith.divf %get3A_350, %div3A_369 : vector<196x384xf32>
    %dot_general3A_371 = arith.constant dense<0.000000e+00> : vector<196x196xf32>
    %dot_general3A_372 = tpu.matmul %div3A_360, %div3A_370, %dot_general3A_371 {dimension_numbers = #tpu.dot_dimension_numbers<[1], [1], [0], [0], [0, 0, 1, 0], [], []>, transpose_lhs_hint = false} : vector<196x384xf32>, vector<196x384xf32>, vector<196x196xf32> -> vector<196x196xf32>
    %div3A_373 = arith.constant 7.000000e-02 : f32
    %div3A_374 = vector.broadcast %div3A_373 : f32 to vector<196x196xf32>
    %div3A_375 = arith.divf %dot_general3A_372, %div3A_374 : vector<196x196xf32>
    %swap3A_376 = arith.constant 5 : index
    %swap3A_377 = arith.constant 0 : index
    %swap3A_378 = arith.constant 0 : index
    %swap3A_379 = vector.load %arg4[%swap3A_376, %swap3A_377, %swap3A_378] : memref<8x224x196xf32, #tpu.memory_space<vmem>>, vector<1x196x196xf32>
    %swap3A_380 = vector.shape_cast %swap3A_379 : vector<1x196x196xf32> to vector<196x196xf32>
    %swap3A_381 = vector.shape_cast %div3A_375 : vector<196x196xf32> to vector<1x196x196xf32>
    tpu.vector_store %arg4[%swap3A_376, %swap3A_377, %swap3A_378], %swap3A_381 {strides = array<i32>} : memref<8x224x196xf32, #tpu.memory_space<vmem>>, vector<1x196x196xf32>,
    %broadcast_in_dim3A_382 = arith.constant 0 : i32
    %broadcast_in_dim3A_383 = vector.broadcast %broadcast_in_dim3A_382 : i32 to vector<32x128xi32>
    %swap3A_384 = arith.constant 5 : index
    %swap3A_385 = arith.constant 192 : index
    %swap3A_386 = arith.constant 0 : index
    %swap3A_387 = vector.load %arg5[%swap3A_384, %swap3A_385, %swap3A_386] : memref<8x224x128xi32, #tpu.memory_space<vmem>>, vector<1x32x128xi32>
    %swap3A_388 = vector.shape_cast %swap3A_387 : vector<1x32x128xi32> to vector<32x128xi32>
    %swap3A_389 = vector.shape_cast %broadcast_in_dim3A_383 : vector<32x128xi32> to vector<1x32x128xi32>
    tpu.vector_store %arg5[%swap3A_384, %swap3A_385, %swap3A_386], %swap3A_389 {strides = array<i32>} : memref<8x224x128xi32, #tpu.memory_space<vmem>>, vector<1x32x128xi32>,
    %get3A_390 = arith.constant 0 : index
    %get3A_391 = arith.constant 5 : index
    %get3A_392 = arith.constant 0 : index
    %get3A_393 = vector.load %arg2[%get3A_390, %get3A_391, %get3A_392] : memref<196x8x128xi32, #tpu.memory_space<vmem>>, vector<196x1x128xi32>
    %get3A_394 = vector.shape_cast %get3A_393 : vector<196x1x128xi32> to vector<196x128xi32>
    %swap3A_395 = arith.constant 5 : index
    %swap3A_396 = arith.constant 0 : index
    %swap3A_397 = arith.constant 0 : index
    %swap3A_398 = vector.load %arg5[%swap3A_395, %swap3A_396, %swap3A_397] : memref<8x224x128xi32, #tpu.memory_space<vmem>>, vector<1x196x128xi32>
    %swap3A_399 = vector.shape_cast %swap3A_398 : vector<1x196x128xi32> to vector<196x128xi32>
    %swap3A_400 = vector.shape_cast %get3A_394 : vector<196x128xi32> to vector<1x196x128xi32>
    tpu.vector_store %arg5[%swap3A_395, %swap3A_396, %swap3A_397], %swap3A_400 {strides = array<i32>} : memref<8x224x128xi32, #tpu.memory_space<vmem>>, vector<1x196x128xi32>,
    %broadcast_in_dim3A_401 = arith.constant 0 : i32
    %broadcast_in_dim3A_402 = vector.broadcast %broadcast_in_dim3A_401 : i32 to vector<32xi32>
    %swap3A_403 = arith.constant 1312 : index
    %swap3A_404 = vector.load %arg6[%swap3A_403] : memref<1792xi32, #tpu.memory_space<vmem>>, vector<32xi32>
    tpu.vector_store %arg6[%swap3A_403], %broadcast_in_dim3A_402 {strides = array<i32>} : memref<1792xi32, #tpu.memory_space<vmem>>, vector<32xi32>,
    %get3A_405 = arith.constant 5 : index
    %get3A_406 = arith.constant 0 : index
    %get3A_407 = vector.load %arg3[%get3A_405, %get3A_406] : memref<8x196xi32, #tpu.memory_space<vmem>>, vector<1x196xi32>
    %get3A_408 = vector.shape_cast %get3A_407 : vector<1x196xi32> to vector<196xi32>
    %swap3A_409 = arith.constant 1120 : index
    %swap3A_410 = vector.load %arg6[%swap3A_409] : memref<1792xi32, #tpu.memory_space<vmem>>, vector<196xi32>
    tpu.vector_store %arg6[%swap3A_409], %get3A_408 {strides = array<i32>} : memref<1792xi32, #tpu.memory_space<vmem>>, vector<196xi32>,
    %get3A_411 = arith.constant 0 : index
    %get3A_412 = arith.constant 6 : index
    %get3A_413 = arith.constant 0 : index
    %get3A_414 = vector.load %arg0[%get3A_411, %get3A_412, %get3A_413] : memref<196x8x384xf32, #tpu.memory_space<vmem>>, vector<196x1x384xf32>
    %get3A_415 = vector.shape_cast %get3A_414 : vector<196x1x384xf32> to vector<196x384xf32>
    %get3A_416 = arith.constant 0 : index
    %get3A_417 = arith.constant 6 : index
    %get3A_418 = arith.constant 0 : index
    %get3A_419 = vector.load %arg1[%get3A_416, %get3A_417, %get3A_418] : memref<196x8x384xf32, #tpu.memory_space<vmem>>, vector<196x1x384xf32>
    %get3A_420 = vector.shape_cast %get3A_419 : vector<196x1x384xf32> to vector<196x384xf32>
    %mul3A_421 = arith.mulf %get3A_415, %get3A_415 : vector<196x384xf32>
    %reduce_sum3A_422 = arith.constant dense<0.000000e+00> : vector<196xf32>
    %reduce_sum3A_423 = vector.multi_reduction <add>, %mul3A_421, %reduce_sum3A_422 [1] : vector<196x384xf32> to vector<196xf32>
    %broadcast_in_dim3A_424 = vector.shape_cast %reduce_sum3A_423 : vector<196xf32> to vector<196x1xf32>
    %sqrt3A_425 = math.sqrt %broadcast_in_dim3A_424 : vector<196x1xf32>
    %max3A_426 = arith.constant 9.99999996E-13 : f32
    %max3A_427 = vector.broadcast %max3A_426 : f32 to vector<196x1xf32>
    %max3A_428 = arith.maximumf %sqrt3A_425, %max3A_427 : vector<196x1xf32>
    %div3A_429 = vector.broadcast %max3A_428 : vector<196x1xf32> to vector<196x384xf32>
    %div3A_430 = arith.divf %get3A_415, %div3A_429 : vector<196x384xf32>
    %mul3A_431 = arith.mulf %get3A_420, %get3A_420 : vector<196x384xf32>
    %reduce_sum3A_432 = arith.constant dense<0.000000e+00> : vector<196xf32>
    %reduce_sum3A_433 = vector.multi_reduction <add>, %mul3A_431, %reduce_sum3A_432 [1] : vector<196x384xf32> to vector<196xf32>
    %broadcast_in_dim3A_434 = vector.shape_cast %reduce_sum3A_433 : vector<196xf32> to vector<196x1xf32>
    %sqrt3A_435 = math.sqrt %broadcast_in_dim3A_434 : vector<196x1xf32>
    %max3A_436 = arith.constant 9.99999996E-13 : f32
    %max3A_437 = vector.broadcast %max3A_436 : f32 to vector<196x1xf32>
    %max3A_438 = arith.maximumf %sqrt3A_435, %max3A_437 : vector<196x1xf32>
    %div3A_439 = vector.broadcast %max3A_438 : vector<196x1xf32> to vector<196x384xf32>
    %div3A_440 = arith.divf %get3A_420, %div3A_439 : vector<196x384xf32>
    %dot_general3A_441 = arith.constant dense<0.000000e+00> : vector<196x196xf32>
    %dot_general3A_442 = tpu.matmul %div3A_430, %div3A_440, %dot_general3A_441 {dimension_numbers = #tpu.dot_dimension_numbers<[1], [1], [0], [0], [0, 0, 1, 0], [], []>, transpose_lhs_hint = false} : vector<196x384xf32>, vector<196x384xf32>, vector<196x196xf32> -> vector<196x196xf32>
    %div3A_443 = arith.constant 7.000000e-02 : f32
    %div3A_444 = vector.broadcast %div3A_443 : f32 to vector<196x196xf32>
    %div3A_445 = arith.divf %dot_general3A_442, %div3A_444 : vector<196x196xf32>
    %swap3A_446 = arith.constant 6 : index
    %swap3A_447 = arith.constant 0 : index
    %swap3A_448 = arith.constant 0 : index
    %swap3A_449 = vector.load %arg4[%swap3A_446, %swap3A_447, %swap3A_448] : memref<8x224x196xf32, #tpu.memory_space<vmem>>, vector<1x196x196xf32>
    %swap3A_450 = vector.shape_cast %swap3A_449 : vector<1x196x196xf32> to vector<196x196xf32>
    %swap3A_451 = vector.shape_cast %div3A_445 : vector<196x196xf32> to vector<1x196x196xf32>
    tpu.vector_store %arg4[%swap3A_446, %swap3A_447, %swap3A_448], %swap3A_451 {strides = array<i32>} : memref<8x224x196xf32, #tpu.memory_space<vmem>>, vector<1x196x196xf32>,
    %broadcast_in_dim3A_452 = arith.constant 0 : i32
    %broadcast_in_dim3A_453 = vector.broadcast %broadcast_in_dim3A_452 : i32 to vector<32x128xi32>
    %swap3A_454 = arith.constant 6 : index
    %swap3A_455 = arith.constant 192 : index
    %swap3A_456 = arith.constant 0 : index
    %swap3A_457 = vector.load %arg5[%swap3A_454, %swap3A_455, %swap3A_456] : memref<8x224x128xi32, #tpu.memory_space<vmem>>, vector<1x32x128xi32>
    %swap3A_458 = vector.shape_cast %swap3A_457 : vector<1x32x128xi32> to vector<32x128xi32>
    %swap3A_459 = vector.shape_cast %broadcast_in_dim3A_453 : vector<32x128xi32> to vector<1x32x128xi32>
    tpu.vector_store %arg5[%swap3A_454, %swap3A_455, %swap3A_456], %swap3A_459 {strides = array<i32>} : memref<8x224x128xi32, #tpu.memory_space<vmem>>, vector<1x32x128xi32>,
    %get3A_460 = arith.constant 0 : index
    %get3A_461 = arith.constant 6 : index
    %get3A_462 = arith.constant 0 : index
    %get3A_463 = vector.load %arg2[%get3A_460, %get3A_461, %get3A_462] : memref<196x8x128xi32, #tpu.memory_space<vmem>>, vector<196x1x128xi32>
    %get3A_464 = vector.shape_cast %get3A_463 : vector<196x1x128xi32> to vector<196x128xi32>
    %swap3A_465 = arith.constant 6 : index
    %swap3A_466 = arith.constant 0 : index
    %swap3A_467 = arith.constant 0 : index
    %swap3A_468 = vector.load %arg5[%swap3A_465, %swap3A_466, %swap3A_467] : memref<8x224x128xi32, #tpu.memory_space<vmem>>, vector<1x196x128xi32>
    %swap3A_469 = vector.shape_cast %swap3A_468 : vector<1x196x128xi32> to vector<196x128xi32>
    %swap3A_470 = vector.shape_cast %get3A_464 : vector<196x128xi32> to vector<1x196x128xi32>
    tpu.vector_store %arg5[%swap3A_465, %swap3A_466, %swap3A_467], %swap3A_470 {strides = array<i32>} : memref<8x224x128xi32, #tpu.memory_space<vmem>>, vector<1x196x128xi32>,
    %broadcast_in_dim3A_471 = arith.constant 0 : i32
    %broadcast_in_dim3A_472 = vector.broadcast %broadcast_in_dim3A_471 : i32 to vector<32xi32>
    %swap3A_473 = arith.constant 1536 : index
    %swap3A_474 = vector.load %arg6[%swap3A_473] : memref<1792xi32, #tpu.memory_space<vmem>>, vector<32xi32>
    tpu.vector_store %arg6[%swap3A_473], %broadcast_in_dim3A_472 {strides = array<i32>} : memref<1792xi32, #tpu.memory_space<vmem>>, vector<32xi32>,
    %get3A_475 = arith.constant 6 : index
    %get3A_476 = arith.constant 0 : index
    %get3A_477 = vector.load %arg3[%get3A_475, %get3A_476] : memref<8x196xi32, #tpu.memory_space<vmem>>, vector<1x196xi32>
    %get3A_478 = vector.shape_cast %get3A_477 : vector<1x196xi32> to vector<196xi32>
    %swap3A_479 = arith.constant 1344 : index
    %swap3A_480 = vector.load %arg6[%swap3A_479] : memref<1792xi32, #tpu.memory_space<vmem>>, vector<196xi32>
    tpu.vector_store %arg6[%swap3A_479], %get3A_478 {strides = array<i32>} : memref<1792xi32, #tpu.memory_space<vmem>>, vector<196xi32>,
    %get3A_481 = arith.constant 0 : index
    %get3A_482 = arith.constant 7 : index
    %get3A_483 = arith.constant 0 : index
    %get3A_484 = vector.load %arg0[%get3A_481, %get3A_482, %get3A_483] : memref<196x8x384xf32, #tpu.memory_space<vmem>>, vector<196x1x384xf32>
    %get3A_485 = vector.shape_cast %get3A_484 : vector<196x1x384xf32> to vector<196x384xf32>
    %get3A_486 = arith.constant 0 : index
    %get3A_487 = arith.constant 7 : index
    %get3A_488 = arith.constant 0 : index
    %get3A_489 = vector.load %arg1[%get3A_486, %get3A_487, %get3A_488] : memref<196x8x384xf32, #tpu.memory_space<vmem>>, vector<196x1x384xf32>
    %get3A_490 = vector.shape_cast %get3A_489 : vector<196x1x384xf32> to vector<196x384xf32>
    %mul3A_491 = arith.mulf %get3A_485, %get3A_485 : vector<196x384xf32>
    %reduce_sum3A_492 = arith.constant dense<0.000000e+00> : vector<196xf32>
    %reduce_sum3A_493 = vector.multi_reduction <add>, %mul3A_491, %reduce_sum3A_492 [1] : vector<196x384xf32> to vector<196xf32>
    %broadcast_in_dim3A_494 = vector.shape_cast %reduce_sum3A_493 : vector<196xf32> to vector<196x1xf32>
    %sqrt3A_495 = math.sqrt %broadcast_in_dim3A_494 : vector<196x1xf32>
    %max3A_496 = arith.constant 9.99999996E-13 : f32
    %max3A_497 = vector.broadcast %max3A_496 : f32 to vector<196x1xf32>
    %max3A_498 = arith.maximumf %sqrt3A_495, %max3A_497 : vector<196x1xf32>
    %div3A_499 = vector.broadcast %max3A_498 : vector<196x1xf32> to vector<196x384xf32>
    %div3A_500 = arith.divf %get3A_485, %div3A_499 : vector<196x384xf32>
    %mul3A_501 = arith.mulf %get3A_490, %get3A_490 : vector<196x384xf32>
    %reduce_sum3A_502 = arith.constant dense<0.000000e+00> : vector<196xf32>
    %reduce_sum3A_503 = vector.multi_reduction <add>, %mul3A_501, %reduce_sum3A_502 [1] : vector<196x384xf32> to vector<196xf32>
    %broadcast_in_dim3A_504 = vector.shape_cast %reduce_sum3A_503 : vector<196xf32> to vector<196x1xf32>
    %sqrt3A_505 = math.sqrt %broadcast_in_dim3A_504 : vector<196x1xf32>
    %max3A_506 = arith.constant 9.99999996E-13 : f32
    %max3A_507 = vector.broadcast %max3A_506 : f32 to vector<196x1xf32>
    %max3A_508 = arith.maximumf %sqrt3A_505, %max3A_507 : vector<196x1xf32>
    %div3A_509 = vector.broadcast %max3A_508 : vector<196x1xf32> to vector<196x384xf32>
    %div3A_510 = arith.divf %get3A_490, %div3A_509 : vector<196x384xf32>
    %dot_general3A_511 = arith.constant dense<0.000000e+00> : vector<196x196xf32>
    %dot_general3A_512 = tpu.matmul %div3A_500, %div3A_510, %dot_general3A_511 {dimension_numbers = #tpu.dot_dimension_numbers<[1], [1], [0], [0], [0, 0, 1, 0], [], []>, transpose_lhs_hint = false} : vector<196x384xf32>, vector<196x384xf32>, vector<196x196xf32> -> vector<196x196xf32>
    %div3A_513 = arith.constant 7.000000e-02 : f32
    %div3A_514 = vector.broadcast %div3A_513 : f32 to vector<196x196xf32>
    %div3A_515 = arith.divf %dot_general3A_512, %div3A_514 : vector<196x196xf32>
    %swap3A_516 = arith.constant 7 : index
    %swap3A_517 = arith.constant 0 : index
    %swap3A_518 = arith.constant 0 : index
    %swap3A_519 = vector.load %arg4[%swap3A_516, %swap3A_517, %swap3A_518] : memref<8x224x196xf32, #tpu.memory_space<vmem>>, vector<1x196x196xf32>
    %swap3A_520 = vector.shape_cast %swap3A_519 : vector<1x196x196xf32> to vector<196x196xf32>
    %swap3A_521 = vector.shape_cast %div3A_515 : vector<196x196xf32> to vector<1x196x196xf32>
    tpu.vector_store %arg4[%swap3A_516, %swap3A_517, %swap3A_518], %swap3A_521 {strides = array<i32>} : memref<8x224x196xf32, #tpu.memory_space<vmem>>, vector<1x196x196xf32>,
    %broadcast_in_dim3A_522 = arith.constant 0 : i32
    %broadcast_in_dim3A_523 = vector.broadcast %broadcast_in_dim3A_522 : i32 to vector<32x128xi32>
    %swap3A_524 = arith.constant 7 : index
    %swap3A_525 = arith.constant 192 : index
    %swap3A_526 = arith.constant 0 : index
    %swap3A_527 = vector.load %arg5[%swap3A_524, %swap3A_525, %swap3A_526] : memref<8x224x128xi32, #tpu.memory_space<vmem>>, vector<1x32x128xi32>
    %swap3A_528 = vector.shape_cast %swap3A_527 : vector<1x32x128xi32> to vector<32x128xi32>
    %swap3A_529 = vector.shape_cast %broadcast_in_dim3A_523 : vector<32x128xi32> to vector<1x32x128xi32>
    tpu.vector_store %arg5[%swap3A_524, %swap3A_525, %swap3A_526], %swap3A_529 {strides = array<i32>} : memref<8x224x128xi32, #tpu.memory_space<vmem>>, vector<1x32x128xi32>,
    %get3A_530 = arith.constant 0 : index
    %get3A_531 = arith.constant 7 : index
    %get3A_532 = arith.constant 0 : index
    %get3A_533 = vector.load %arg2[%get3A_530, %get3A_531, %get3A_532] : memref<196x8x128xi32, #tpu.memory_space<vmem>>, vector<196x1x128xi32>
    %get3A_534 = vector.shape_cast %get3A_533 : vector<196x1x128xi32> to vector<196x128xi32>
    %swap3A_535 = arith.constant 7 : index
    %swap3A_536 = arith.constant 0 : index
    %swap3A_537 = arith.constant 0 : index
    %swap3A_538 = vector.load %arg5[%swap3A_535, %swap3A_536, %swap3A_537] : memref<8x224x128xi32, #tpu.memory_space<vmem>>, vector<1x196x128xi32>
    %swap3A_539 = vector.shape_cast %swap3A_538 : vector<1x196x128xi32> to vector<196x128xi32>
    %swap3A_540 = vector.shape_cast %get3A_534 : vector<196x128xi32> to vector<1x196x128xi32>
    tpu.vector_store %arg5[%swap3A_535, %swap3A_536, %swap3A_537], %swap3A_540 {strides = array<i32>} : memref<8x224x128xi32, #tpu.memory_space<vmem>>, vector<1x196x128xi32>,
    %broadcast_in_dim3A_541 = arith.constant 0 : i32
    %broadcast_in_dim3A_542 = vector.broadcast %broadcast_in_dim3A_541 : i32 to vector<32xi32>
    %swap3A_543 = arith.constant 1760 : index
    %swap3A_544 = vector.load %arg6[%swap3A_543] : memref<1792xi32, #tpu.memory_space<vmem>>, vector<32xi32>
    tpu.vector_store %arg6[%swap3A_543], %broadcast_in_dim3A_542 {strides = array<i32>} : memref<1792xi32, #tpu.memory_space<vmem>>, vector<32xi32>,
    %get3A_545 = arith.constant 7 : index
    %get3A_546 = arith.constant 0 : index
    %get3A_547 = vector.load %arg3[%get3A_545, %get3A_546] : memref<8x196xi32, #tpu.memory_space<vmem>>, vector<1x196xi32>
    %get3A_548 = vector.shape_cast %get3A_547 : vector<1x196xi32> to vector<196xi32>
    %swap3A_549 = arith.constant 1568 : index
    %swap3A_550 = vector.load %arg6[%swap3A_549] : memref<1792xi32, #tpu.memory_space<vmem>>, vector<196xi32>
    tpu.vector_store %arg6[%swap3A_549], %get3A_548 {strides = array<i32>} : memref<1792xi32, #tpu.memory_space<vmem>>, vector<196xi32>,
    return
  }
}

module attributes {stable_mosaic.version = 14 : i64} {
  func.func @_loss_body(%arg0: memref<1792x128xf32, #tpu.memory_space<vmem>>, %arg1: memref<1792xf32, #tpu.memory_space<vmem>>, %arg2: memref<1x1xf32, #tpu.memory_space<vmem>>) attributes {dimension_semantics = [], scalar_prefetch = 0 : i64, scratch_operands = 0 : i64, tpu.core_type = #tpu.core_type<tc>} {
    %get3A = arith.constant 0 : index
    %get3A_0 = arith.constant 0 : index
    %get3A_1 = vector.load %arg0[%get3A, %get3A_0] : memref<1792x128xf32, #tpu.memory_space<vmem>>, vector<1792x128xf32>
    %get3A_2 = arith.constant 0 : index
    %get3A_3 = vector.load %arg1[%get3A_2] : memref<1792xf32, #tpu.memory_space<vmem>>, vector<1792xf32>
    %reshape3A = vector.shape_cast %get3A_3 : vector<1792xf32> to vector<1792x1xf32>
    %iota3A = tpu.iota {dimensions = array<i32: 0>} : vector<1792x1xi32>
    %jit3A = arith.constant 224 : i32
    %eq3A = arith.constant 0 : i32
    %eq3A_4 = arith.cmpi eq, %jit3A, %eq3A : i32
    %jit3A_5 = arith.constant 1 : i32
    %select_n3A = arith.select %eq3A_4, %jit3A_5, %jit3A : i32
    %rem3A = vector.broadcast %select_n3A : i32 to vector<1792x1xi32>
    %rem3A_6 = arith.remsi %iota3A, %rem3A : vector<1792x1xi32>
    %ne3A = arith.constant 0 : i32
    %ne3A_7 = vector.broadcast %ne3A : i32 to vector<1792x1xi32>
    %ne3A_8 = arith.cmpi ne, %rem3A_6, %ne3A_7 : vector<1792x1xi32>
    %lt3A = arith.constant 0 : i32
    %lt3A_9 = vector.broadcast %lt3A : i32 to vector<1792x1xi32>
    %lt3A_10 = arith.cmpi slt, %rem3A_6, %lt3A_9 : vector<1792x1xi32>
    %lt3A_11 = arith.constant 0 : i32
    %lt3A_12 = arith.cmpi slt, %select_n3A, %lt3A_11 : i32
    %ne3A_13 = vector.broadcast %lt3A_12 : i1 to vector<1792x1xi1>
    %ne3A_14 = vector.broadcast %ne3A_13 : vector<1792x1xi1> to vector<1792x1xi1>
    %ne3A_15 = arith.xori %lt3A_10, %ne3A_14 : vector<1792x1xi1>
    %and3A = arith.andi %ne3A_15, %ne3A_8 : vector<1792x1xi1>
    %add3A = vector.broadcast %select_n3A : i32 to vector<1792x1xi32>
    %add3A_16 = arith.addi %rem3A_6, %add3A : vector<1792x1xi32>
    %select_n3A_17 = arith.select %and3A, %add3A_16, %rem3A_6 : vector<1792x1xi1>, vector<1792x1xi32>
    %lt3A_18 = arith.constant 196 : i32
    %lt3A_19 = vector.broadcast %lt3A_18 : i32 to vector<1792x1xi32>
    %lt3A_20 = arith.cmpi slt, %select_n3A_17, %lt3A_19 : vector<1792x1xi32>
    %reduce_max3A = arith.constant dense<0xFF800000> : vector<1792xf32>
    %reduce_max3A_21 = vector.multi_reduction <maximumf>, %get3A_1, %reduce_max3A [1] : vector<1792x128xf32> to vector<1792xf32>
    %broadcast_in_dim3A = vector.shape_cast %reduce_max3A_21 : vector<1792xf32> to vector<1792x1xf32>
    %max3A = arith.maximumf %broadcast_in_dim3A, %reshape3A : vector<1792x1xf32>
    %sub3A = vector.broadcast %max3A : vector<1792x1xf32> to vector<1792x128xf32>
    %sub3A_22 = arith.subf %get3A_1, %sub3A : vector<1792x128xf32>
    %exp3A = math.exp %sub3A_22 : vector<1792x128xf32>
    %reduce_sum3A = arith.constant dense<0.000000e+00> : vector<1792xf32>
    %reduce_sum3A_23 = vector.multi_reduction <add>, %exp3A, %reduce_sum3A [1] : vector<1792x128xf32> to vector<1792xf32>
    %broadcast_in_dim3A_24 = vector.shape_cast %reduce_sum3A_23 : vector<1792xf32> to vector<1792x1xf32>
    %sub3A_25 = arith.subf %reshape3A, %max3A : vector<1792x1xf32>
    %exp3A_26 = math.exp %sub3A_25 : vector<1792x1xf32>
    %add3A_27 = arith.addf %broadcast_in_dim3A_24, %exp3A_26 : vector<1792x1xf32>
    %log3A = math.log %add3A_27 : vector<1792x1xf32>
    %add3A_28 = arith.addf %max3A, %log3A : vector<1792x1xf32>
    %sub3A_29 = arith.subf %add3A_28, %reshape3A : vector<1792x1xf32>
    %jit3A_30 = arith.constant 0.000000e+00 : f32
    %broadcast_in_dim3A_31 = vector.broadcast %jit3A_30 : f32 to vector<1792x1xf32>
    %select_n3A_32 = arith.select %lt3A_20, %sub3A_29, %broadcast_in_dim3A_31 : vector<1792x1xi1>, vector<1792x1xf32>
    %reduce_sum3A_33 = vector.shape_cast %select_n3A_32 : vector<1792x1xf32> to vector<1x1792x1xf32>
    %reduce_sum3A_34 = arith.constant dense<0.000000e+00> : vector<1xf32>
    %reduce_sum3A_35 = vector.multi_reduction <add>, %reduce_sum3A_33, %reduce_sum3A_34 [1, 2] : vector<1x1792x1xf32> to vector<1xf32>
    %reduce_sum3A_36 = vector.shape_cast %reduce_sum3A_35 : vector<1xf32> to vector<1x1x1xf32>
    %reduce_sum3A_37 = vector.extract %reduce_sum3A_36[0, 0, 0] : f32 from vector<1x1x1xf32>
    %div3A = arith.constant 1.568000e+03 : f32
    %div3A_38 = arith.divf %reduce_sum3A_37, %div3A : f32
    %reshape3A_39 = vector.broadcast %div3A_38 : f32 to vector<1x1xf32>
    %swap3A = arith.constant 0 : index
    %swap3A_40 = arith.constant 0 : index
    %swap3A_41 = vector.load %arg2[%swap3A, %swap3A_40] : memref<1x1xf32, #tpu.memory_space<vmem>>, vector<1x1xf32>
    tpu.vector_store %arg2[%swap3A, %swap3A_40], %reshape3A_39 {strides = array<i32>} : memref<1x1xf32, #tpu.memory_space<vmem>>, vector<1x1xf32>,
    return
  }
}

</mosaic_0001>

<sc_bundles>
// kernel: kernel.5.cloned.1.call-start
scs
__scs_entry_jumppad:
0x0: {  	(pc) =	sbr.rel $0x88, $3  }
0x1: {  	(tag) =	ssettag $0x0;
	lr =	simm.s32 $0x1  }
0x2: {  	[smem:$0x3F9D] =	sst lr;
	_ =	strace $0xD0000000  }
0x3: {  	_ = 	snop  }
0x4: {  	_ = 	snop  }
0x5: {  	_ = 	snop  }
0x6: {  	_ = 	snop  }
0x7: {  	_ = 	snop  }
__scs_overlays_trampoline_lowered:
0x8: {  	[smem:$0x3FAC] =	sst s0  }
0x9: {  	[smem:$0x3FAD] =	sst s1  }
0xa: {  	[smem:$0x3FAE] =	sst s2  }
0xb: {  	[smem:$0x3FAF] =	sst s3  }
0xc: {  	[smem:$0x3FB0] =	sst s4  }
0xd: {  	[smem:$0x3FB1] =	sst s5  }
0xe: {  	[smem:$0x3FB2] =	sst s6  }
0xf: {  	[smem:$0x3FB3] =	sst s7  }
0x10: {  	[smem:$0x3FB4] =	sst s8  }
0x11: {  	[smem:$0x3FB5] =	sst s9;
	s0 =	simm.s32 @!p0 $0x0  }
0x12: {  	s1 =	sld [smem:$0x3F9B];
	s0 =	simm.s32 @p0 $0x1  }
0x13: {  	[smem:$0x3FB6] =	sst s0;
	s0 =	simm.s32 @!p1 $0x0  }
0x14: {  	s2 =	sld [smem:$0x3F9A];
	s0 =	simm.s32 @p1 $0x1  }
0x15: {  	[smem:$0x3FB7] =	sst s0;
	s0 =	simm.s32 @!p2 $0x0  }
0x16: {  	s3 =	sld [smem:$0x3FDB];
	s0 =	simm.s32 @p2 $0x1  }
0x17: {  	s4 =	simm.s32 $0x1BF5;
	[smem:$0x3FB9] =	sst s0  }
0x18: {  	s0 =	sld [smem:$0x3F9C];
	_ =	swait.ge [sflag:s4], $0x0  }
0x19: {  	s7 =	sld [smem:$0x3F9D]  }
0x1a: {  	s8 =	sadd.s32 $0xFFFFE003, lr  }
0x1b: {  	s9 =	sadd.s32 $0xFFFFFEF7, lr;
	s5 =	simm.s32 $0xFFFFFFFF;
	p2 =	slt.u32 s8, $0xFFFFF086  }
0x1c: {  	p1 =	slt.u32 s9, $0xF7A;
	s5 =	simm.s32 @!p2 $0x0  }
0x1d: {  	s5 =	simm.s32 @p1 $0x1;
	p0 =	seq.s32 s7, s2  }
0x1e: {  	s7 =	smul.u32 @!p0 $0xF7A, s2;
	p2 =	seq.s32 @!p0 s5, $0x0  }
0x1f: {  	s9 =	smul.u32 $0xF7A, s1;
	s8 =	simm.s32 @!p0 $0x1BF5;
	p2 =	por !p2, p0  }
0x20: {  	[sflag:s8] =	ssyncset.s32 @!p0 $0xFFFFF086;
	s6 =	sadd.s32 @!p0 s3, s7;
	s7 =	simm.s32 @!p0 $0x108  }
0x21: {  	s3 =	sadd.s32 s3, s9;
	s6 =	sadd.s32 @!p0 $0x88, s6;
	s7 =	simm.s32 @p2 $0x1082  }
0x22: {  	[simem:s7], [sflag:s8] =	dma.local @!p0 [hbm:s6], $0xF7A  }
0x23: {  	s9 =	sor.u32 $0xD0000000, s2;
	s6 =	simm.s32 $0x108;
	_ =	swait.ge @!p0 [sflag:s8], $0x0  }
0x24: {  	s3 =	sadd.s32 $0x88, s3;
	s6 =	simm.s32 @!p1 $0x1082;
	[sflag:s4] =	ssyncset.s32 $0xFFFFF086  }
0x25: {  	[simem:s6], [sflag:s4] =	dma.local [hbm:s3], $0xF7A  }
0x26: {  	[smem:$0x3F9D] =	sst s1;
	(tag) =	ssettag s2;
	_ =	strace s9  }
0x27: {  	s1 =	sld [smem:$0x3FAD]  }
0x28: {  	s2 =	sld [smem:$0x3FAE]  }
0x29: {  	s4 =	sld [smem:$0x3FB0]  }
0x2a: {  	p0 =	seq.s32 s5, $0x0;
	s5 =	sld [smem:$0x3FB1]  }
0x2b: {  	s6 =	sld [smem:$0x3FB2]  }
0x2c: {  	s7 =	sld [smem:$0x3FB3]  }
0x2d: {  	s3 =	simm.s32 $0x108;
	s8 =	sld [smem:$0x3FB4]  }
0x2e: {  	s3 =	simm.s32 @!p0 $0x1082;
	s9 =	sld [smem:$0x3FB5]  }
0x2f: {  	lr =	sadd.s32 s0, s3;
	s0 =	sld [smem:$0x3FAC]  }
0x30: {  	s3 =	sld [smem:$0x3FAF]  }
0x31: {  	[smem:$0x3FB8] =	sst s10  }
0x32: {  	s10 =	sld [smem:$0x3FB6];
	_ =	sdelay $0x3  }
0x33: {  	p0 =	seq.s32 s10, $0x1;
	s10 =	sld [smem:$0x3FB8];
	_ =	sdelay $0x3  }
0x34: {  	[smem:$0x3FB8] =	sst s10  }
0x35: {  	s10 =	sld [smem:$0x3FB7];
	_ =	sdelay $0x3  }
0x36: {  	p1 =	seq.s32 s10, $0x1;
	s10 =	sld [smem:$0x3FB8];
	_ =	sdelay $0x3  }
0x37: {  	[smem:$0x3FB8] =	sst s10  }
0x38: {  	s10 =	sld [smem:$0x3FB9]  }
0x39: {  	_ = 	snop;
	(pc) =	sbr.ind lr, $3  }
0x3a: {  	_ = 	snop  }
0x3b: {  	_ = 	snop  }
0x3c: {  	p2 =	seq.s32 s10, $0x1;
	s10 =	sld [smem:$0x3FB8]  }
0x3d: {  	_ =	shalt  }
0x3e: {  	_ =	shalt  }
0x3f: {  	_ =	shalt  }
0x40: {  	_ =	shalt  }
0x41: {  	_ =	shalt  }
0x42: {  	_ =	shalt  }
0x43: {  	_ =	shalt  }
0x44: {  	_ =	shalt  }
0x45: {  	_ =	shalt  }
0x46: {  	_ =	shalt  }
0x47: {  	_ =	shalt  }
0x48: {  	_ =	shalt  }
0x49: {  	_ =	shalt  }
0x4a: {  	_ =	shalt  }
0x4b: {  	_ =	shalt  }
0x4c: {  	_ =	shalt  }
0x4d: {  	_ =	shalt  }
0x4e: {  	_ =	shalt  }
0x4f: {  	_ =	shalt  }
0x50: {  	_ =	shalt  }
0x51: {  	_ =	shalt  }
0x52: {  	_ =	shalt  }
0x53: {  	_ =	shalt  }
0x54: {  	_ =	shalt  }
0x55: {  	_ =	shalt  }
0x56: {  	_ =	shalt  }
0x57: {  	_ =	shalt  }
0x58: {  	_ =	shalt  }
0x59: {  	_ =	shalt  }
0x5a: {  	_ =	shalt  }
0x5b: {  	_ =	shalt  }
0x5c: {  	_ =	shalt  }
0x5d: {  	_ =	shalt  }
0x5e: {  	_ =	shalt  }
0x5f: {  	_ =	shalt  }
0x60: {  	_ =	shalt  }
0x61: {  	_ =	shalt  }
0x62: {  	_ =	shalt  }
0x63: {  	_ =	shalt  }
0x64: {  	_ =	shalt  }
0x65: {  	_ =	shalt  }
0x66: {  	_ =	shalt  }
0x67: {  	_ =	shalt  }
0x68: {  	_ =	shalt  }
0x69: {  	_ =	shalt  }
0x6a: {  	_ =	shalt  }
0x6b: {  	_ =	shalt  }
0x6c: {  	_ =	shalt  }
0x6d: {  	_ =	shalt  }
0x6e: {  	_ =	shalt  }
0x6f: {  	_ =	shalt  }
0x70: {  	_ =	shalt  }
0x71: {  	_ =	shalt  }
0x72: {  	_ =	shalt  }
0x73: {  	_ =	shalt  }
0x74: {  	_ =	shalt  }
0x75: {  	_ =	shalt  }
0x76: {  	_ =	shalt  }
0x77: {  	_ =	shalt  }
0x78: {  	_ =	shalt  }
0x79: {  	_ =	shalt  }
0x7a: {  	_ =	shalt  }
0x7b: {  	_ =	shalt  }
0x7c: {  	_ =	shalt  }
0x7d: {  	_ =	shalt  }
0x7e: {  	_ =	shalt  }
0x7f: {  	_ =	shalt  }
0x80: {  	_ =	shalt  }
0x81: {  	_ =	shalt  }
0x82: {  	_ =	shalt  }
0x83: {  	_ =	shalt  }
0x84: {  	_ =	shalt  }
0x85: {  	_ =	shalt  }
0x86: {  	_ =	shalt  }
0x87: {  	_ =	shalt  }
.Lfunc_end0:
.L_simem_size_0:
called_computation_lowered:
.L_overlay_start_0:
0x88: {  	s2 =	sld [smem:$0x3FD9]  }
0x89: {  	s3 =	sld [smem:$0x3FFE];
	_ =	sdelay $0x1  }
0x8a: {  	s1 =	srdreg.scid  }
0x8b: {  	s0 =	sand.u32 $0x1, s1  }
0x8c: {  	s16 =	sshll.u32 s0, $0xA;
	s2 =	sadd.s32 s3, s2  }
0x8d: {  	s2 =	sadd.s32 s2, s16  }
0x8e: {  	[smem:$0x3FC4] =	sst s2  }
0x8f: {  	_ = 	snop  }
0x90: {  	(tm) =	ssettm $0x1  }
0x91: {  	s17 =	sld [smem:$0x3FFB];
	_ =	sdelay $0x3  }
0x92: {  	_ =	strace s17  }
0x93: {  	s2 =	sld [smem:$0x3FFC];
	_ =	sdelay $0x3  }
0x94: {  	_ =	strace s2  }
0x95: {  	s2 =	sld [smem:$0x3FFD];
	_ =	sdelay $0x3  }
0x96: {  	_ =	strace s2  }
0x97: {  	_ =	strace $0x8FFFFFFF  }
0x98: {  	s18 =	sld [smem:$0x3FDB];
	_ =	sdelay $0x1  }
0x99: {  	s19 =	simm.s32 $_scs_section_size  }
0x9a: {  	s4 =	simm.s32 $_size__tile_overlayer_lowered;
	s5 =	simm.s32 $_tile_overlayer_lowered  }
0x9b: {  	s22 =	simm.s32 $0x1BFF;
	s21 =	sshll.u32 s5, $0x1;
	s2 =	sadd.s32 s19, s18  }
0x9c: {  	s6 =	simm.s32 $0x0;
	s20 =	sshll.u32 s4, $0x1;
	s4 =	sadd.s32 s21, s2  }
0x9d: {  	[timem:s6], [sflag:s22] =	dma.local [hbm:s4], s20  }
0x9e: {  	_ =	swait.ge [sflag:s22], s20  }
0x9f: {  	s3 =	ssub.s32 $0x0, s20;
	[sflag:s22] =	ssyncset.done $0x0  }
0xa0: {  	[sflag:s22] =	ssyncadd.s32 s3;
	_ =	sdelay $0x1  }
0xa1: {  	s23 =	simm.s32 $0x1B8B  }
0xa2: {  	_ =	swait.ge [sflag:s23], $0x1  }
0xa3: {  	[sflag:s23] =	ssyncset.done $0x0  }
0xa4: {  	s25 =	simm.s32 $0x1B8E;
	s24 =	sld [smem:$0x3FFE];
	[sflag:s23] =	ssyncadd.s32 $0xFFFFFFFF  }
0xa5: {  	s26 =	simm.s32 $execute0_lowered;
	[smem:$0x3FD2] =	sst s25  }
0xa6: {  	s4 =	sshll.u32 s26, $0x1;
	_ =	strace $0x80000046;
	[dreg:$0x1] =	wrdreg $0xFFFFFFFF  }
0xa7: {  	s28 =	simm.s32 $_size_execute0_lowered;
	s2 =	sadd.s32 s2, s4;
	[dreg:$0x0] =	wrdreg $0x0  }
0xa8: {  	s4 =	sshll.u32 s28, $0x1;
	[dreg:$0x2] =	wrdreg s2  }
0xa9: {  	[dreg:$0x3] =	wrdreg s4  }
0xaa: {  	[dreg:$0x4] =	wrdreg $0xC0  }
0xab: {  	_ =	task [dreg:s6], $0x5FFFF  }
0xac: {  	[dreg:$0x1] =	wrdreg $0xFFFFFFFF  }
0xad: {  	[dreg:$0x0] =	wrdreg $0x60  }
0xae: {  	[dreg:$0x2] =	wrdreg s24  }
0xaf: {  	[dreg:$0x3] =	wrdreg $0x9  }
0xb0: {  	_ =	task.clear_ibuf [dreg:s6], $0x4FFFF;
	_ =	strace $0x90000046  }
0xb1: {  	s29 =	simm.s32 $0x9;
	_ =	strace $0x80000048  }
0xb2: {  	_ =	swait.ge [sflag:s29], $0x1  }
0xb3: {  	[sflag:s29] =	ssyncadd.s32 $0xFFFFFFFF  }
0xb4: {  	_ =	strace $0x90000048  }
0xb5: {  	_ =	sfence  }
0xb6: {  	s30 =	sld [smem:$0x0];
	_ =	sdelay $0x2  }
0xb7: {  	s31 =	sshll.u32 s1, $0xD;
	s1 =	sshrl.u32 s1, $0x2  }
0xb8: {  	s3 =	sand.u32 $0x4000, s31;
	s1 =	sadd.s32 s1, s30  }
0xb9: {  	s0 =	sor.u32 s3, s0;
	s1 =	sshll.u32 s1, $0x11  }
0xba: {  	s0 =	sor.u32 s1, s0  }
0xbb: {  	s0 =	sadd.s32 $0x8F2B, s0  }
0xbc: {  	[sflag:s0] =	ssyncadd.remote.s32 $0x1  }
0xbd: {  	_ =	sfence.sel $0xFFFF  }
0xbe: {  	[dreg:$0x0] =	wrdreg $0xFFFFFFFF;
	(pc) =	sbr.abs _section_cstart, $3  }
0xbf: {  	[dreg:$0x1] =	wrdreg $0xFFFFFFFF  }
0xc0: {  	_ =	task.clear_ibuf [dreg:s6], $0x2FFFF;
	_ =	strace $0x9FFFFFFF  }
0xc1: {  	(tm) =	ssettm $0x7FFFFFFF  }
tec
execute0_lowered:
.L_overlay_start_1:
0x0: {  	(tag) =	ssettag $0x1  }
0x1: {  	v0 =	vimm.s32 $0xB80  }
0x2: {  	vm13 =	vcmask $0x300;
	vm6 =	vcmask $0x704;
	vm5 =	vcmask $0xB08  }
0x3: {  	vm4 =	vcmask $0xF0C;
	vm3 =	vcmask $0x1310;
	vm2 =	vcmask $0x1714  }
0x4: {  	vm0 =	vcmask $0x1B18;
	vm1 =	vcmask $0x1F1C;
	vm12 =	vcmask $0x2320  }
0x5: {  	vm10 =	vcmask $0x2724;
	vm8 =	vcmask $0x2B28;
	vm7 =	vcmask $0x2F2C  }
0x6: {  	v1 =	vimm.s32 $0x1B80;
	v2 =	vimm.s32 $0x2B80;
	vm9 =	vcmask $0x3330  }
0x7: {  	vm11 =	vcmask $0x3734;
	v3 =	vimm.s32 $0x0;
	v0 =	vsel vm13, $0x0, v0  }
0x8: {  	v1 =	vsel vm13, $0x1000, v1;
	v2 =	vsel vm13, $0x2000, v2;
	v3 =	vsel vm13, $0x3000, v3  }
0x9: {  	vm13 =	vcmask $0x3B38;
	v0 =	vsel vm6, $0x80, v0;
	v1 =	vsel vm6, $0x1080, v1  }
0xa: {  	v2 =	vsel vm6, $0x2080, v2;
	v3 =	vsel vm6, $0x3080, v3;
	v0 =	vsel vm5, $0x100, v0  }
0xb: {  	s0 =	stileid.u32;
	s1 =	srdreg.scid;
	v1 =	vsel vm5, $0x1100, v1;
	v2 =	vsel vm5, $0x2100, v2;
	v3 =	vsel vm5, $0x3100, v3  }
0xc: {  	s8 =	rddreg [dreg:$0x0];
	s11 =	simm.s32 $0x1;
	s4 =	sshrl.u32 s0, $0x1;
	v0 =	vsel vm4, $0x180, v0;
	v1 =	vsel vm4, $0x1180, v1;
	v2 =	vsel vm4, $0x2180, v2  }
0xd: {  	s12 =	simm.s32 $0x5480;
	s2 =	sshll.u32 s0, $0x1;
	s6 =	smul.u32 $0xE000, s4;
	v3 =	vsel vm4, $0x3180, v3;
	v0 =	vsel vm3, $0x200, v0;
	v1 =	vsel vm3, $0x1200, v1  }
0xe: {  	s3 =	sand.u32 $0x1, s1;
	s28 =	sand.u32 $0x2, s2;
	s9 =	smul.u32 $0x7000, s4;
	v2 =	vsel vm3, $0x2200, v2;
	v3 =	vsel vm3, $0x3200, v3;
	v0 =	vsel vm2, $0x280, v0  }
0xf: {  	s13 =	simm.s32 $0x7080;
	s4 =	smul.u32 $0xE0, s4;
	s5 =	sor.u32 s3, s28;
	v1 =	vsel vm2, $0x1280, v1;
	v2 =	vsel vm2, $0x2280, v2;
	v3 =	vsel vm2, $0x3280, v3  }
0x10: {  	s1 =	rddreg [dreg:$0x1];
	s2 =	simm.s32 $0x0;
	s7 =	smul.u32 $0x3800, s5;
	v0 =	vsel vm0, $0x300, v0;
	v1 =	vsel vm0, $0x1300, v1;
	v2 =	vsel vm0, $0x2300, v2  }
0x11: {  	s14 =	simm.s32 $0x0;
	[smem:$0x7FF] =	sst s2;
	s10 =	smul.u32 $0x1C00, s5;
	v3 =	vsel vm0, $0x3300, v3;
	vm0 =	vmmov $0xff;
	v0 =	vsel vm1, $0x380, v0  }
0x12: {  	s3 =	ssub.s32 $0x2, s3;
	s5 =	smul.u32 $0x38, s5;
	_ =	strace $0x80000047;
	v1 =	vsel vm1, $0x1380, v1;
	v2 =	vsel vm1, $0x2380, v2;
	v3 =	vsel vm1, $0x3380, v3  }
0x13: {  	s30 =	sshrl.u32 s3, $0x1;
	s6 =	sadd.s32 s6, s7;
	s29 =	sadd.s32 s9, s10;
	v0 =	vsel vm12, $0x800, v0;
	v1 =	vsel vm12, $0x1800, v1;
	v2 =	vsel vm12, $0x2800, v2  }
0x14: {  	s4 =	sadd.s32 s4, s5;
	s9 =	ssub.s32 s3, s30;
	s10 =	simm.s32 $0x3800;
	v0 =	vsel vm10, $0x880, v0;
	v1 =	vsel vm10, $0x1880, v1;
	v2 =	vsel vm10, $0x2880, v2  }
0x15: {  	s6 =	sshrl.u32 s6, $0x3;
	s7 =	sshrl.u32 s29, $0x3;
	s5 =	sshll.u32 s4, $0x4;
	v0 =	vsel vm8, $0x900, v0;
	v1 =	vsel vm8, $0x1900, v1;
	v2 =	vsel vm8, $0x2900, v2  }
0x16: {  	s4 =	sshrl.u32 s4, $0x3;
	s6 =	sadd.s32 s6, s8;
	s7 =	sadd.s32 s7, s8;
	v0 =	vsel vm7, $0x980, v0;
	v1 =	vsel vm7, $0x1980, v1;
	v2 =	vsel vm7, $0x2980, v2  }
0x17: {  	s31 =	sadd.s32 s5, s8;
	s8 =	sadd.s32 s4, s8;
	s3 =	sadd.s32 $0x1C00, s6;
	v0 =	vsel vm9, $0xA00, v0;
	v1 =	vsel vm9, $0x1A00, v1;
	v2 =	vsel vm9, $0x2A00, v2  }
0x18: {  	s4 =	sadd.s32 $0xFC00, s7;
	s5 =	sadd.s32 $0x16C00, s8;
	s6 =	sadd.s32 $0x16E00, s31;
	v0 =	vsel vm11, $0xA80, v0;
	v1 =	vsel vm11, $0x1A80, v1;
	v2 =	vsel vm11, $0x2A80, v2  }
0x19: {  	s7 =	sadd.s32 $0x1DE00, s8;
	s8 =	smax.u32 s9, $0x1;
	s9 =	simm.s32 $0x3880;
	v0 =	vsel vm13, $0xB00, v0;
	v1 =	vsel vm13, $0x1B00, v1;
	v2 =	vsel vm13, $0x2B00, v2  }
.LBB2_1:
0x1a: {  	[tilespmem:s2], [sflag:$0x1] =	stream.linear.gather [hbm4b:s3+s2], $0x3800, $0x38;
	[tilespmem:$0x7100] =	vst v63  }
0x1b: {  	_ = 	snop  }
0x1c: {  	[tilespmem:s9], [sflag:$0x1] =	stream.linear.gather [hbm4b:s4+s2], $0x1C00, $0x38;
	[tilespmem:$0x7100] =	vst v63  }
0x1d: {  	_ = 	snop  }
0x1e: {  	[tilespmem:s10], [sflag:$0x1] =	stream.linear.gather [hbm4b:s5+s2], $0x38, $0x38;
	[tilespmem:$0x7100] =	vst v63  }
0x1f: {  	_ =	swait.ge [sflag:s11], $0x3800  }
0x20: {  	[sflag:s11] =	ssyncset.done $0x0  }
0x21: {  	[sflag:s11] =	ssyncadd.s32 $0xFFFFC800  }
0x22: {  	_ =	swait.ge [sflag:s11], $0x1C00  }
0x23: {  	[sflag:s11] =	ssyncset.done $0x0  }
0x24: {  	[sflag:s11] =	ssyncadd.s32 $0xFFFFE400  }
0x25: {  	_ =	swait.ge [sflag:s11], $0x38  }
0x26: {  	[sflag:s11] =	ssyncset.done $0x0  }
0x27: {  	s19 =	simm.s32 $0x3980;
	[sflag:s11] =	ssyncadd.s32 $0xFFFFFFC8  }
0x28: {  	v4 =	vld [tilespmem:s19+$0x80];
	_ =	sdelay $0x2  }
0x29: {  	s15 =	simm.s32 $0x3  }
0x2a: {  	v5 =	vmov s15  }
0x2b: {  	v6 =	vshll.u32 v5, $0x8;
	v7 =	vshll.u32 v4, $0x3  }
0x2c: {  	v23 =	vand.u32 $0x3800, v6;
	v6 =	vand.u32 $0xFFFFFC00, v7  }
0x2d: {  	v5 =	vshll.u32 v5, $0x7;
	v4 =	vand.u32 $0x7F, v4;
	v6 =	vadd.s32 v23, v6  }
0x2e: {  	v22 =	vand.u32 $0x380, v5;
	v4 =	vor.u32 v4, v6  }
0x2f: {  	v4 =	vor.u32 v22, v4;
	_ =	sdelay $0x3  }
0x30: {  	v9 =	vld [tilespmem:s19+$0x0]  }
0x31: {  	v4 =	vld.idx.msk [tilespmem:v4+s2+$0x0], $0xffff;
	_ =	sdelay $0x2  }
0x32: {  	s16 =	simm.s32 $0x1;
	s17 =	simm.s32 $0x2;
	v5 =	vld [tilespmem:s19+$0xFFFFFF00]  }
0x33: {  	s15 =	simm.s32 $0x5580;
	v10 =	vmov s16;
	v11 =	vmov s17;
	v7 =	vld [tilespmem:s19+$0xFFFFFF80];
	v6 =	vmov s2  }
0x34: {  	v12 =	vshll.u32 v9, $0x3;
	v8 =	vshll.u32 v6, $0x7;
	v6 =	vshll.u32 v6, $0x8;
	[tilespmem:s15+$0x80] =	vst v4  }
0x35: {  	v26 =	vand.u32 $0x200, v8;
	v25 =	vand.u32 $0x3800, v6;
	v6 =	vshll.u32 v11, $0x7;
	v8 =	vld [tilespmem:s19+$0x90]  }
0x36: {  	v11 =	vshll.u32 v11, $0x8;
	v4 =	vshll.u32 v10, $0x7;
	v10 =	vshll.u32 v10, $0x8  }
0x37: {  	v27 =	vand.u32 $0x280, v4;
	v28 =	vand.u32 $0x3800, v10;
	v4 =	vshll.u32 v5, $0x3  }
0x38: {  	v10 =	vshll.u32 v7, $0x3;
	v5 =	vand.u32 $0x7F, v5;
	v4 =	vand.u32 $0xFFFFFC00, v4  }
0x39: {  	v7 =	vand.u32 $0x7F, v7;
	v10 =	vand.u32 $0xFFFFFC00, v10;
	v4 =	vadd.s32 v25, v4  }
0x3a: {  	v10 =	vadd.s32 v28, v10;
	v4 =	vor.u32 v5, v4;
	v5 =	vshll.u32 v8, $0x3  }
0x3b: {  	v13 =	vor.u32 v26, v4;
	v4 =	vor.u32 v7, v10;
	v5 =	vand.u32 $0xFFFFFC00, v5  }
0x3c: {  	v7 =	vor.u32 v27, v4;
	v4 =	vand.u32 $0x7F, v8;
	v8 =	vadd.s32 v23, v5  }
0x3d: {  	v10 =	vand.u32 $0xFFFFFC00, v12;
	v5 =	vand.u32 $0x3800, v11;
	v4 =	vor.u32 v4, v8  }
0x3e: {  	v8 =	vadd.s32 v5, v10;
	v10 =	vor.u32 v22, v4  }
0x3f: {  	v9 =	vand.u32 $0x7F, v9  }
0x40: {  	v4 =	vand.u32 $0x300, v6;
	v6 =	vor.u32 v9, v8  }
0x41: {  	v8 =	vld.idx.msk [tilespmem:v13+s2+$0x0], $0xffff;
	v6 =	vor.u32 v4, v6  }
0x42: {  	v7 =	vld.idx.msk [tilespmem:v7+s2+$0x0], $0xffff  }
0x43: {  	v9 =	vld.idx.msk [tilespmem:v10+s2+$0x0], $0xffff;
	_ =	sdelay $0x2  }
0x44: {  	[tilespmem:s15+$0xFFFFFF00] =	vst v8;
	v6 =	vld.idx.msk [tilespmem:v6+s2+$0x0], $0xffff  }
0x45: {  	v8 =	vld [tilespmem:s19+$0xFFFFFF10];
	[tilespmem:s15+$0xFFFFFF80] =	vst v7  }
0x46: {  	v7 =	vld [tilespmem:s19+$0xFFFFFF90];
	[tilespmem:s15+$0x90] =	vst v9  }
0x47: {  	v9 =	vld [tilespmem:s19+$0xA0];
	_ =	sdelay $0x2  }
0x48: {  	[tilespmem:s15+$0x0] =	vst v6;
	v10 =	vand.u32 $0x7F, v8;
	v8 =	vshll.u32 v8, $0x3  }
0x49: {  	v6 =	vld [tilespmem:s19+$0x10];
	v8 =	vand.u32 $0xFFFFFC00, v8  }
0x4a: {  	v11 =	vshll.u32 v7, $0x3;
	v8 =	vadd.s32 v25, v8;
	v12 =	vshll.u32 v9, $0x3  }
0x4b: {  	v7 =	vand.u32 $0x7F, v7;
	v8 =	vor.u32 v10, v8;
	v10 =	vand.u32 $0xFFFFFC00, v12  }
0x4c: {  	v11 =	vand.u32 $0xFFFFFC00, v11;
	v9 =	vand.u32 $0x7F, v9;
	v10 =	vadd.s32 v23, v10  }
0x4d: {  	v11 =	vadd.s32 v28, v11;
	v8 =	vor.u32 v26, v8;
	v9 =	vor.u32 v9, v10  }
0x4e: {  	v7 =	vor.u32 v7, v11;
	v11 =	vshll.u32 v6, $0x3;
	v9 =	vor.u32 v22, v9  }
0x4f: {  	v7 =	vor.u32 v27, v7;
	v10 =	vand.u32 $0xFFFFFC00, v11  }
0x50: {  	v6 =	vand.u32 $0x7F, v6;
	v10 =	vadd.s32 v5, v10  }
0x51: {  	v6 =	vor.u32 v6, v10  }
0x52: {  	v8 =	vld.idx.msk [tilespmem:v8+s2+$0x0], $0xffff;
	v6 =	vor.u32 v4, v6  }
0x53: {  	v9 =	vld.idx.msk [tilespmem:v9+s2+$0x0], $0xffff  }
0x54: {  	v7 =	vld.idx.msk [tilespmem:v7+s2+$0x0], $0xffff;
	_ =	sdelay $0x2  }
0x55: {  	[tilespmem:s15+$0xFFFFFF10] =	vst v8;
	v6 =	vld.idx.msk [tilespmem:v6+s2+$0x0], $0xffff  }
0x56: {  	v8 =	vld [tilespmem:s19+$0xFFFFFF20];
	[tilespmem:s15+$0xA0] =	vst v9  }
0x57: {  	[tilespmem:s15+$0xFFFFFF90] =	vst v7;
	v9 =	vld [tilespmem:s19+$0xB0]  }
0x58: {  	v7 =	vld [tilespmem:s19+$0xFFFFFFA0]  }
0x59: {  	s26 =	simm.s32 $0x6  }
0x5a: {  	s23 =	simm.s32 $0x4;
	v21 =	vmov s26;
	[tilespmem:s15+$0x10] =	vst v6  }
0x5b: {  	v29 =	vshll.u32 v21, $0x7;
	v10 =	vmov s23;
	v6 =	vld [tilespmem:s19+$0x20]  }
0x5c: {  	v11 =	vand.u32 $0x7F, v8;
	v8 =	vshll.u32 v8, $0x3;
	v13 =	vshll.u32 v9, $0x3  }
0x5d: {  	s17 =	simm.s32 $0x3B80;
	v8 =	vand.u32 $0xFFFFFC00, v8;
	v12 =	vand.u32 $0x7F, v7;
	v13 =	vand.u32 $0xFFFFFC00, v13  }
0x5e: {  	v14 =	vld [tilespmem:s17+$0x80];
	v7 =	vshll.u32 v7, $0x3;
	v9 =	vand.u32 $0x7F, v9;
	v13 =	vadd.s32 v23, v13  }
0x5f: {  	v8 =	vadd.s32 v25, v8;
	v7 =	vand.u32 $0xFFFFFC00, v7;
	v9 =	vor.u32 v9, v13  }
0x60: {  	v8 =	vor.u32 v11, v8;
	v15 =	vshll.u32 v6, $0x3;
	v9 =	vor.u32 v22, v9  }
0x61: {  	v7 =	vadd.s32 v28, v7;
	v8 =	vor.u32 v26, v8;
	v13 =	vand.u32 $0xFFFFFC00, v15  }
0x62: {  	s24 =	simm.s32 $0x7;
	v7 =	vor.u32 v12, v7;
	v6 =	vand.u32 $0x7F, v6;
	v11 =	vadd.s32 v5, v13  }
0x63: {  	v19 =	vld [tilespmem:s17+$0x0];
	v12 =	vshll.u32 v14, $0x3;
	v6 =	vor.u32 v6, v11;
	v11 =	vmov s24  }
0x64: {  	v15 =	vld [tilespmem:s17+$0xFFFFFF00];
	v13 =	vor.u32 v27, v7;
	v7 =	vshll.u32 v11, $0x8;
	v6 =	vor.u32 v4, v6  }
0x65: {  	v11 =	vshll.u32 v11, $0x7;
	v18 =	vand.u32 $0x3800, v7;
	v7 =	vand.u32 $0xFFFFFC00, v12;
	v16 =	vld.idx.msk [tilespmem:v9+s2+$0x0], $0xffff  }
0x66: {  	v24 =	vld.idx.msk [tilespmem:v8+s2+$0x0], $0xffff;
	v12 =	vand.u32 $0x380, v11;
	v7 =	vadd.s32 v18, v7;
	v9 =	vand.u32 $0x7F, v14  }
0x67: {  	s25 =	simm.s32 $0x5;
	v17 =	vld [tilespmem:s17+$0xFFFFFF80];
	v14 =	vshll.u32 v10, $0x7;
	v7 =	vor.u32 v9, v7;
	v9 =	vshll.u32 v10, $0x8  }
0x68: {  	v10 =	vmov s25;
	v20 =	vor.u32 v12, v7;
	v7 =	vand.u32 $0x200, v14  }
0x69: {  	v14 =	vshll.u32 v10, $0x7;
	v11 =	vand.u32 $0x3800, v9;
	v9 =	vshll.u32 v10, $0x8;
	v10 =	vld.idx.msk [tilespmem:v13+s2+$0x0], $0xffff  }
0x6a: {  	v30 =	vshll.u32 v19, $0x3;
	v13 =	vshll.u32 v21, $0x8;
	v8 =	vand.u32 $0x280, v14;
	v14 =	vld.idx.msk [tilespmem:v6+s2+$0x0], $0xffff;
	[tilespmem:s15+$0xB0] =	vst v16  }
0x6b: {  	[tilespmem:s15+$0xFFFFFF20] =	vst v24;
	v24 =	vand.u32 $0xFFFFFC00, v30;
	v6 =	vand.u32 $0x3800, v13;
	v13 =	vshll.u32 v15, $0x3;
	v21 =	vld [tilespmem:s19+$0xC0]  }
0x6c: {  	v9 =	vand.u32 $0x3800, v9;
	v13 =	vand.u32 $0xFFFFFC00, v13;
	v16 =	vshll.u32 v17, $0x3  }
0x6d: {  	v15 =	vand.u32 $0x7F, v15;
	v13 =	vadd.s32 v11, v13;
	v16 =	vand.u32 $0xFFFFFC00, v16;
	v20 =	vld.idx.msk [tilespmem:v20+s2+$0x0], $0xffff  }
0x6e: {  	v13 =	vor.u32 v15, v13;
	[tilespmem:s15+$0xFFFFFFA0] =	vst v10;
	v10 =	vadd.s32 v9, v16;
	v16 =	vand.u32 $0x7F, v17  }
0x6f: {  	v30 =	vld [tilespmem:s19+$0xFFFFFF30];
	v15 =	vadd.s32 v6, v24;
	v13 =	vor.u32 v7, v13;
	v10 =	vor.u32 v16, v10  }
0x70: {  	v17 =	vand.u32 $0x7F, v19;
	[tilespmem:s15+$0x20] =	vst v14;
	v14 =	vld [tilespmem:s19+$0xFFFFFFB0];
	v19 =	vor.u32 v8, v10;
	v24 =	vshll.u32 v21, $0x3  }
0x71: {  	s16 =	simm.s32 $0x5780;
	v15 =	vor.u32 v17, v15;
	v16 =	vld [tilespmem:s19+$0x30];
	v10 =	vand.u32 $0x300, v29;
	v17 =	vand.u32 $0xFFFFFC00, v24  }
0x72: {  	v15 =	vor.u32 v10, v15;
	[tilespmem:s16+$0x80] =	vst v20;
	v20 =	vand.u32 $0x7F, v21;
	v17 =	vadd.s32 v23, v17  }
0x73: {  	v21 =	vld [tilespmem:s17+$0x90];
	v17 =	vor.u32 v20, v17  }
0x74: {  	v13 =	vld.idx.msk [tilespmem:v13+s2+$0x0], $0xffff;
	v17 =	vor.u32 v22, v17  }
0x75: {  	v24 =	vshll.u32 v14, $0x3;
	v14 =	vand.u32 $0x7F, v14;
	v20 =	vshll.u32 v30, $0x3;
	v19 =	vld.idx.msk [tilespmem:v19+s2+$0x0], $0xffff  }
0x76: {  	v29 =	vshll.u32 v16, $0x3;
	v24 =	vand.u32 $0xFFFFFC00, v24;
	v20 =	vand.u32 $0xFFFFFC00, v20  }
0x77: {  	v30 =	vand.u32 $0x7F, v30;
	v29 =	vand.u32 $0xFFFFFC00, v29;
	v15 =	vld.idx.msk [tilespmem:v15+s2+$0x0], $0xffff;
	v20 =	vadd.s32 v25, v20  }
0x78: {  	v24 =	vadd.s32 v28, v24;
	v20 =	vor.u32 v30, v20;
	v31 =	vshll.u32 v21, $0x3  }
0x79: {  	v14 =	vor.u32 v14, v24;
	[tilespmem:s16+$0xFFFFFF00] =	vst v13;
	v20 =	vor.u32 v26, v20;
	v30 =	vand.u32 $0xFFFFFC00, v31;
	v13 =	vld.idx.msk [tilespmem:v17+s2+$0x0], $0xffff  }
0x7a: {  	v14 =	vor.u32 v27, v14;
	[tilespmem:s16+$0xFFFFFF80] =	vst v19;
	v17 =	vand.u32 $0x7F, v21;
	v21 =	vadd.s32 v18, v30;
	v30 =	vld [tilespmem:s17+$0xFFFFFF10]  }
0x7b: {  	v16 =	vand.u32 $0x7F, v16;
	v29 =	vadd.s32 v5, v29;
	v19 =	vld [tilespmem:s17+$0xFFFFFF90];
	v17 =	vor.u32 v17, v21  }
0x7c: {  	v16 =	vor.u32 v16, v29;
	[tilespmem:s16+$0x0] =	vst v15;
	v17 =	vor.u32 v12, v17  }
0x7d: {  	v15 =	vor.u32 v4, v16;
	v16 =	vld [tilespmem:s17+$0x10]  }
0x7e: {  	v20 =	vld.idx.msk [tilespmem:v20+s2+$0x0], $0xffff  }
0x7f: {  	v14 =	vld.idx.msk [tilespmem:v14+s2+$0x0], $0xffff;
	[tilespmem:s15+$0xC0] =	vst v13  }
0x80: {  	v13 =	vshll.u32 v30, $0x3;
	v24 =	vand.u32 $0x7F, v30;
	v29 =	vshll.u32 v19, $0x3;
	v21 =	vld [tilespmem:s19+$0xD0]  }
0x81: {  	v19 =	vand.u32 $0x7F, v19;
	v13 =	vand.u32 $0xFFFFFC00, v13;
	v29 =	vand.u32 $0xFFFFFC00, v29;
	v17 =	vld.idx.msk [tilespmem:v17+s2+$0x0], $0xffff  }
0x82: {  	v15 =	vld.idx.msk [tilespmem:v15+s2+$0x0], $0xffff;
	v30 =	vshll.u32 v16, $0x3;
	v16 =	vand.u32 $0x7F, v16;
	v13 =	vadd.s32 v11, v13  }
0x83: {  	v29 =	vadd.s32 v9, v29;
	v30 =	vand.u32 $0xFFFFFC00, v30;
	v13 =	vor.u32 v24, v13;
	[tilespmem:s15+$0xFFFFFF30] =	vst v20  }
0x84: {  	v19 =	vor.u32 v19, v29;
	v20 =	vadd.s32 v6, v30;
	v13 =	vor.u32 v7, v13;
	v24 =	vld [tilespmem:s19+$0xFFFFFF40]  }
0x85: {  	[tilespmem:s15+$0xFFFFFFB0] =	vst v14;
	v19 =	vor.u32 v8, v19;
	v16 =	vor.u32 v16, v20;
	v29 =	vshll.u32 v21, $0x3  }
0x86: {  	v14 =	vor.u32 v10, v16;
	v16 =	vand.u32 $0x7F, v21;
	v21 =	vld [tilespmem:s19+$0xFFFFFFC0];
	v20 =	vand.u32 $0xFFFFFC00, v29;
	[tilespmem:s16+$0x90] =	vst v17  }
0x87: {  	[tilespmem:s15+$0x30] =	vst v15;
	v17 =	vadd.s32 v23, v20;
	v20 =	vld [tilespmem:s17+$0xA0]  }
0x88: {  	v15 =	vor.u32 v16, v17;
	v16 =	vld [tilespmem:s19+$0x40]  }
0x89: {  	v13 =	vld.idx.msk [tilespmem:v13+s2+$0x0], $0xffff;
	v17 =	vshll.u32 v24, $0x3;
	v15 =	vor.u32 v22, v15  }
0x8a: {  	v19 =	vld.idx.msk [tilespmem:v19+s2+$0x0], $0xffff;
	v17 =	vand.u32 $0xFFFFFC00, v17  }
0x8b: {  	v24 =	vand.u32 $0x7F, v24;
	v14 =	vld.idx.msk [tilespmem:v14+s2+$0x0], $0xffff;
	v17 =	vadd.s32 v25, v17  }
0x8c: {  	v30 =	vshll.u32 v21, $0x3;
	v21 =	vand.u32 $0x7F, v21;
	v29 =	vshll.u32 v20, $0x3  }
0x8d: {  	v17 =	vor.u32 v24, v17;
	v20 =	vand.u32 $0x7F, v20;
	v24 =	vand.u32 $0xFFFFFC00, v29  }
0x8e: {  	v17 =	vor.u32 v26, v17;
	v29 =	vand.u32 $0xFFFFFC00, v30;
	[tilespmem:s16+$0xFFFFFF10] =	vst v13;
	v15 =	vld.idx.msk [tilespmem:v15+s2+$0x0], $0xffff;
	v24 =	vadd.s32 v18, v24  }
0x8f: {  	[tilespmem:s16+$0xFFFFFF90] =	vst v19;
	v13 =	vor.u32 v20, v24;
	v20 =	vshll.u32 v16, $0x3;
	v24 =	vadd.s32 v28, v29;
	v29 =	vld [tilespmem:s17+$0xFFFFFF20]  }
0x90: {  	s18 =	simm.s32 $0x8;
	[tilespmem:s16+$0x10] =	vst v14;
	v14 =	vand.u32 $0x7F, v16;
	v19 =	vand.u32 $0xFFFFFC00, v20;
	v20 =	vor.u32 v21, v24;
	v21 =	vld [tilespmem:s17+$0xFFFFFFA0]  }
0x91: {  	v24 =	vmov s18;
	s18 =	simm.s32 $0x3D80;
	v16 =	vadd.s32 v5, v19;
	v19 =	vor.u32 v27, v20;
	v20 =	vld [tilespmem:s17+$0x20]  }
0x92: {  	s20 =	simm.s32 $0xA;
	v13 =	vor.u32 v12, v13;
	v54 =	vld [tilespmem:s18+$0x80]  }
0x93: {  	v31 =	vmov s20;
	v55 =	vld [tilespmem:s18+$0xFFFFFF80]  }
0x94: {  	s28 =	simm.s32 $0x9;
	v52 =	vshll.u32 v31, $0x7;
	v39 =	vld [tilespmem:s18+$0x0];
	v14 =	vor.u32 v14, v16;
	[tilespmem:s15+$0xD0] =	vst v15;
	v15 =	vshll.u32 v24, $0x7  }
0x95: {  	v16 =	vld.idx.msk [tilespmem:v17+s2+$0x0], $0xffff;
	v17 =	vor.u32 v4, v14;
	v14 =	vshll.u32 v24, $0x8;
	v24 =	vmov s28  }
0x96: {  	v30 =	vld [tilespmem:s19+$0xE0];
	v33 =	vshll.u32 v29, $0x3;
	v14 =	vand.u32 $0x3800, v14;
	v29 =	vand.u32 $0x7F, v29  }
0x97: {  	v32 =	vld.idx.msk [tilespmem:v13+s2+$0x0], $0xffff;
	v13 =	vand.u32 $0x200, v15;
	v15 =	vshll.u32 v24, $0x7;
	v33 =	vand.u32 $0xFFFFFC00, v33  }
0x98: {  	v34 =	vand.u32 $0x7F, v21;
	v21 =	vshll.u32 v21, $0x3;
	v33 =	vadd.s32 v11, v33  }
0x99: {  	v19 =	vld.idx.msk [tilespmem:v19+s2+$0x0], $0xffff;
	v21 =	vand.u32 $0xFFFFFC00, v21;
	v35 =	vshll.u32 v20, $0x3;
	v20 =	vand.u32 $0x7F, v20  }
0x9a: {  	v41 =	vshll.u32 v54, $0x3;
	v59 =	vshll.u32 v55, $0x3;
	v62 =	vshll.u32 v39, $0x3  }
0x9b: {  	v48 =	vand.u32 $0x7F, v39;
	[tilespmem:s15+$0xFFFFFF40] =	vst v16;
	v21 =	vadd.s32 v9, v21;
	v29 =	vor.u32 v29, v33;
	v17 =	vld.idx.msk [tilespmem:v17+s2+$0x0], $0xffff  }
0x9c: {  	v35 =	vand.u32 $0xFFFFFC00, v35;
	v56 =	vand.u32 $0xFFFFFC00, v41;
	v50 =	vld [tilespmem:s19+$0xFFFFFF50];
	v16 =	vshll.u32 v30, $0x3;
	[tilespmem:s16+$0xA0] =	vst v32  }
0x9d: {  	v29 =	vor.u32 v7, v29;
	v30 =	vand.u32 $0x7F, v30;
	v16 =	vand.u32 $0xFFFFFC00, v16;
	v32 =	vld [tilespmem:s17+$0xB0]  }
0x9e: {  	v16 =	vadd.s32 v23, v16;
	[tilespmem:s15+$0xFFFFFFC0] =	vst v19;
	v19 =	vor.u32 v34, v21;
	v21 =	vadd.s32 v6, v35  }
0x9f: {  	v35 =	vand.u32 $0x7F, v55;
	v16 =	vor.u32 v30, v16;
	v30 =	vld [tilespmem:s19+$0xFFFFFFD0];
	v19 =	vor.u32 v8, v19  }
0xa0: {  	v51 =	vor.u32 v22, v16;
	v16 =	vor.u32 v20, v21;
	v20 =	vshll.u32 v24, $0x8  }
0xa1: {  	v21 =	vshll.u32 v31, $0x8;
	v31 =	vand.u32 $0x7F, v50;
	v24 =	vor.u32 v10, v16  }
0xa2: {  	[tilespmem:s15+$0x40] =	vst v17;
	v29 =	vld.idx.msk [tilespmem:v29+s2+$0x0], $0xffff;
	v16 =	vand.u32 $0x280, v15;
	v15 =	vshll.u32 v50, $0x3;
	v17 =	vshll.u32 v32, $0x3  }
0xa3: {  	v53 =	vld [tilespmem:s19+$0x50];
	v15 =	vand.u32 $0xFFFFFC00, v15;
	v32 =	vand.u32 $0x7F, v32;
	v17 =	vand.u32 $0xFFFFFC00, v17  }
0xa4: {  	v36 =	vshll.u32 v30, $0x3;
	v37 =	vld.idx.msk [tilespmem:v19+s2+$0x0], $0xffff;
	v19 =	vadd.s32 v25, v15;
	v17 =	vadd.s32 v18, v17  }
0xa5: {  	v30 =	vand.u32 $0x7F, v30;
	v34 =	vld.idx.msk [tilespmem:v51+s2+$0x0], $0xffff;
	v15 =	vand.u32 $0xFFFFFC00, v36;
	v17 =	vor.u32 v32, v17  }
0xa6: {  	v36 =	vadd.s32 v28, v15;
	v38 =	vor.u32 v12, v17;
	v17 =	vor.u32 v31, v19  }
0xa7: {  	[tilespmem:s16+$0xFFFFFF20] =	vst v29;
	v29 =	vand.u32 $0x7F, v54;
	v19 =	vor.u32 v30, v36;
	v30 =	vor.u32 v26, v17  }
0xa8: {  	s29 =	simm.s32 $0xB;
	v58 =	vld [tilespmem:s17+$0xFFFFFF30];
	v36 =	vor.u32 v27, v19;
	v17 =	vshll.u32 v53, $0x3;
	v19 =	vand.u32 $0x3800, v20  }
0xa9: {  	v31 =	vld [tilespmem:s18+$0xFFFFFF00];
	v20 =	vand.u32 $0xFFFFFC00, v17;
	v17 =	vand.u32 $0x3800, v21;
	v21 =	vmov s29;
	[tilespmem:s16+$0xFFFFFFA0] =	vst v37  }
0xaa: {  	v33 =	vand.u32 $0x7F, v53;
	[tilespmem:s15+$0xE0] =	vst v34;
	v20 =	vadd.s32 v5, v20;
	v40 =	vshll.u32 v21, $0x8;
	v60 =	vld [tilespmem:s17+$0xFFFFFFB0]  }
0xab: {  	v21 =	vshll.u32 v21, $0x7;
	v34 =	vld [tilespmem:s19+$0xF0];
	v33 =	vor.u32 v33, v20;
	v20 =	vand.u32 $0x3800, v40  }
0xac: {  	v15 =	vand.u32 $0x300, v52;
	v21 =	vand.u32 $0x380, v21;
	v38 =	vld.idx.msk [tilespmem:v38+s2+$0x0], $0xffff;
	v57 =	vadd.s32 v20, v56  }
0xad: {  	v24 =	vld.idx.msk [tilespmem:v24+s2+$0x0], $0xffff;
	v40 =	vand.u32 $0xFFFFFC00, v59;
	v37 =	vand.u32 $0x7F, v58;
	v29 =	vor.u32 v29, v57  }
0xae: {  	v42 =	vshll.u32 v31, $0x3;
	v40 =	vadd.s32 v19, v40;
	v30 =	vld.idx.msk [tilespmem:v30+s2+$0x0], $0xffff;
	v29 =	vor.u32 v21, v29  }
0xaf: {  	v31 =	vand.u32 $0x7F, v31;
	v61 =	vand.u32 $0xFFFFFC00, v42;
	v42 =	vand.u32 $0xFFFFFC00, v62;
	v36 =	vld.idx.msk [tilespmem:v36+s2+$0x0], $0xffff  }
0xb0: {  	v63 =	vadd.s32 v14, v61;
	v42 =	vadd.s32 v17, v42;
	v43 =	vshll.u32 v34, $0x3  }
0xb1: {  	v31 =	vor.u32 v31, v63;
	v51 =	vshll.u32 v60, $0x3;
	[tilespmem:s16+$0xB0] =	vst v38;
	v45 =	vand.u32 $0xFFFFFC00, v43  }
0xb2: {  	[tilespmem:s16+$0x20] =	vst v24;
	v24 =	vand.u32 $0x7F, v34;
	v31 =	vor.u32 v13, v31;
	v46 =	vld [tilespmem:s17+$0xC0];
	v23 =	vadd.s32 v23, v45  }
0xb3: {  	v32 =	vand.u32 $0x7F, v60;
	[tilespmem:s15+$0xFFFFFF50] =	vst v30;
	v30 =	vshll.u32 v58, $0x3;
	v23 =	vor.u32 v24, v23;
	v29 =	vld.idx.msk [tilespmem:v29+s2+$0x0], $0xffff  }
0xb4: {  	[tilespmem:s15+$0xFFFFFFD0] =	vst v36;
	v36 =	vand.u32 $0xFFFFFC00, v51;
	v24 =	vor.u32 v22, v23;
	v22 =	vor.u32 v35, v40  }
0xb5: {  	v47 =	vld [tilespmem:s17+$0x30];
	v36 =	vadd.s32 v9, v36;
	v23 =	vor.u32 v48, v42;
	v22 =	vor.u32 v16, v22  }
0xb6: {  	v50 =	vld [tilespmem:s19+$0xFFFFFF60];
	v30 =	vand.u32 $0xFFFFFC00, v30;
	v32 =	vor.u32 v32, v36;
	v23 =	vor.u32 v15, v23  }
0xb7: {  	s21 =	simm.s32 $0x5980;
	v30 =	vadd.s32 v11, v30;
	v31 =	vld.idx.msk [tilespmem:v31+s2+$0x0], $0xffff;
	v32 =	vor.u32 v8, v32;
	v49 =	vshll.u32 v46, $0x3  }
0xb8: {  	v52 =	vld [tilespmem:s19+$0xFFFFFFE0];
	v30 =	vor.u32 v37, v30;
	v35 =	vand.u32 $0xFFFFFC00, v49;
	[tilespmem:s21+$0x80] =	vst v29  }
0xb9: {  	v30 =	vor.u32 v7, v30;
	v53 =	vand.u32 $0x7F, v46;
	v35 =	vadd.s32 v18, v35;
	v56 =	vld [tilespmem:s18+$0x90]  }
0xba: {  	v33 =	vor.u32 v4, v33;
	v29 =	vor.u32 v53, v35;
	v22 =	vld.idx.msk [tilespmem:v22+s2+$0x0], $0xffff  }
0xbb: {  	v54 =	vshll.u32 v47, $0x3;
	v23 =	vld.idx.msk [tilespmem:v23+s2+$0x0], $0xffff;
	v29 =	vor.u32 v12, v29  }
0xbc: {  	s22 =	simm.s32 $0xC;
	v34 =	vand.u32 $0x7F, v47;
	v55 =	vand.u32 $0xFFFFFC00, v54;
	[tilespmem:s21+$0xFFFFFF00] =	vst v31;
	v32 =	vld.idx.msk [tilespmem:v32+s2+$0x0], $0xffff  }
0xbd: {  	v46 =	vmov s22;
	v57 =	vand.u32 $0x7F, v50;
	v58 =	vshll.u32 v50, $0x3;
	v60 =	vld [tilespmem:s18+$0xFFFFFF10]  }
0xbe: {  	v59 =	vshll.u32 v52, $0x3;
	v45 =	vand.u32 $0x7F, v52;
	v35 =	vadd.s32 v6, v55;
	v30 =	vld.idx.msk [tilespmem:v30+s2+$0x0], $0xffff  }
0xbf: {  	v33 =	vld.idx.msk [tilespmem:v33+s2+$0x0], $0xffff;
	v36 =	vand.u32 $0xFFFFFC00, v58;
	v34 =	vor.u32 v34, v35;
	v31 =	vshll.u32 v56, $0x3  }
0xc0: {  	v34 =	vor.u32 v10, v34;
	v61 =	vand.u32 $0x7F, v56;
	v31 =	vand.u32 $0xFFFFFC00, v31;
	[tilespmem:s21+$0xFFFFFF80] =	vst v22;
	v29 =	vld.idx.msk [tilespmem:v29+s2+$0x0], $0xffff  }
0xc1: {  	v22 =	vand.u32 $0xFFFFFC00, v59;
	[tilespmem:s21+$0x0] =	vst v23;
	v23 =	vadd.s32 v25, v36;
	v31 =	vadd.s32 v20, v31;
	v62 =	vld [tilespmem:s18+$0xFFFFFF90]  }
0xc2: {  	[tilespmem:s16+$0xFFFFFFB0] =	vst v32;
	v22 =	vadd.s32 v28, v22;
	v63 =	vld [tilespmem:s18+$0x10];
	v47 =	vshll.u32 v60, $0x3;
	v31 =	vor.u32 v61, v31  }
0xc3: {  	v23 =	vor.u32 v57, v23;
	[tilespmem:s16+$0xFFFFFF30] =	vst v30;
	v54 =	vld [tilespmem:s17+$0xFFFFFFC0];
	v37 =	vand.u32 $0xFFFFFC00, v47;
	v31 =	vor.u32 v21, v31  }
0xc4: {  	s30 =	simm.s32 $0xD;
	v38 =	vand.u32 $0x7F, v60;
	v22 =	vor.u32 v45, v22;
	v52 =	vld [tilespmem:s17+$0xFFFFFF40];
	v37 =	vadd.s32 v14, v37  }
0xc5: {  	v55 =	vmov s30;
	v23 =	vor.u32 v26, v23;
	v34 =	vld.idx.msk [tilespmem:v34+s2+$0x0], $0xffff;
	v37 =	vor.u32 v38, v37;
	[tilespmem:s16+$0xC0] =	vst v29  }
0xc6: {  	v35 =	vshll.u32 v46, $0x8;
	v37 =	vor.u32 v13, v37;
	v29 =	vor.u32 v27, v22;
	v48 =	vld [tilespmem:s17+$0xD0]  }
0xc7: {  	v49 =	vshll.u32 v62, $0x3;
	v40 =	vand.u32 $0x7F, v62;
	v50 =	vshll.u32 v63, $0x3  }
0xc8: {  	v36 =	vand.u32 $0x7F, v63;
	v41 =	vand.u32 $0xFFFFFC00, v49;
	v42 =	vand.u32 $0xFFFFFC00, v50;
	v31 =	vld.idx.msk [tilespmem:v31+s2+$0x0], $0xffff  }
0xc9: {  	v58 =	vand.u32 $0x7F, v52;
	v41 =	vadd.s32 v19, v41;
	v30 =	vadd.s32 v17, v42  }
0xca: {  	[tilespmem:s15+$0x50] =	vst v33;
	v23 =	vld.idx.msk [tilespmem:v23+s2+$0x0], $0xffff;
	v51 =	vor.u32 v40, v41;
	v30 =	vor.u32 v36, v30;
	v40 =	vshll.u32 v52, $0x3  }
0xcb: {  	v45 =	vld [tilespmem:s19+$0x60];
	[tilespmem:s16+$0x30] =	vst v34;
	v36 =	vshll.u32 v54, $0x3;
	v38 =	vor.u32 v16, v51;
	v53 =	vshll.u32 v48, $0x3  }
0xcc: {  	v34 =	vld [tilespmem:s17+$0x40];
	v30 =	vor.u32 v15, v30;
	v40 =	vand.u32 $0xFFFFFC00, v40;
	v32 =	vand.u32 $0xFFFFFC00, v53  }
0xcd: {  	v37 =	vld.idx.msk [tilespmem:v37+s2+$0x0], $0xffff;
	v36 =	vand.u32 $0xFFFFFC00, v36;
	v39 =	vand.u32 $0x7F, v48;
	[tilespmem:s21+$0x90] =	vst v31;
	v32 =	vadd.s32 v18, v32  }
0xce: {  	v59 =	vadd.s32 v11, v40;
	v36 =	vadd.s32 v9, v36;
	v57 =	vld [tilespmem:s18+$0xA0];
	v31 =	vor.u32 v39, v32  }
0xcf: {  	s31 =	simm.s32 $0xE;
	v44 =	vand.u32 $0x7F, v54;
	v29 =	vld.idx.msk [tilespmem:v29+s2+$0x0], $0xffff;
	v33 =	vor.u32 v58, v59;
	[tilespmem:s15+$0xFFFFFF60] =	vst v23;
	v31 =	vor.u32 v12, v31  }
0xd0: {  	v56 =	vmov s31;
	v36 =	vor.u32 v44, v36;
	v61 =	vld [tilespmem:s19+$0xFFFFFF70];
	v33 =	vor.u32 v7, v33  }
0xd1: {  	v22 =	vshll.u32 v46, $0x7;
	v60 =	vshll.u32 v34, $0x3;
	v36 =	vor.u32 v8, v36;
	v38 =	vld.idx.msk [tilespmem:v38+s2+$0x0], $0xffff  }
0xd2: {  	v22 =	vand.u32 $0x200, v22;
	v50 =	vand.u32 $0x7F, v45;
	v40 =	vand.u32 $0xFFFFFC00, v60;
	v30 =	vld.idx.msk [tilespmem:v30+s2+$0x0], $0xffff;
	[tilespmem:s21+$0xFFFFFF10] =	vst v37  }
0xd3: {  	v34 =	vand.u32 $0x7F, v34;
	v40 =	vadd.s32 v6, v40;
	v62 =	vld [tilespmem:s18+$0xFFFFFF20];
	v46 =	vshll.u32 v57, $0x3  }
0xd4: {  	v42 =	vshll.u32 v55, $0x7;
	v34 =	vor.u32 v34, v40;
	v23 =	vand.u32 $0xFFFFFC00, v46;
	v31 =	vld.idx.msk [tilespmem:v31+s2+$0x0], $0xffff  }
0xd5: {  	v63 =	vor.u32 v10, v34;
	v33 =	vld.idx.msk [tilespmem:v33+s2+$0x0], $0xffff;
	v39 =	vand.u32 $0x7F, v57;
	v23 =	vadd.s32 v20, v23  }
0xd6: {  	v34 =	vshll.u32 v56, $0x8;
	v37 =	vshll.u32 v61, $0x3;
	v36 =	vld.idx.msk [tilespmem:v36+s2+$0x0], $0xffff;
	[tilespmem:s21+$0xFFFFFF90] =	vst v38;
	v23 =	vor.u32 v39, v23  }
0xd7: {  	v37 =	vand.u32 $0xFFFFFC00, v37;
	[tilespmem:s21+$0x10] =	vst v30;
	v30 =	vshll.u32 v45, $0x3;
	v48 =	vld [tilespmem:s18+$0xFFFFFFA0];
	v49 =	vor.u32 v21, v23  }
0xd8: {  	v51 =	vld [tilespmem:s18+$0x20];
	v52 =	vand.u32 $0xFFFFFC00, v30;
	v30 =	vshll.u32 v55, $0x8;
	v54 =	vshll.u32 v62, $0x3  }
0xd9: {  	v46 =	vld.idx.msk [tilespmem:v24+s2+$0x0], $0xffff;
	v40 =	vand.u32 $0x7F, v62;
	v53 =	vadd.s32 v5, v52;
	v41 =	vand.u32 $0xFFFFFC00, v54;
	[tilespmem:s16+$0xD0] =	vst v31  }
0xda: {  	v23 =	vand.u32 $0x3800, v35;
	v32 =	vor.u32 v50, v53;
	v41 =	vadd.s32 v14, v41;
	v55 =	vld [tilespmem:s17+$0xE0]  }
0xdb: {  	v62 =	vld.idx.msk [tilespmem:v63+s2+$0x0], $0xffff;
	v35 =	vshll.u32 v56, $0x7;
	v24 =	vor.u32 v4, v32;
	v40 =	vor.u32 v40, v41  }
0xdc: {  	v63 =	vor.u32 v13, v40;
	v31 =	vand.u32 $0x7F, v61;
	v56 =	vshll.u32 v48, $0x3;
	v43 =	vld.idx.msk [tilespmem:v49+s2+$0x0], $0xffff  }
0xdd: {  	[tilespmem:s15+$0xFFFFFFE0] =	vst v29;
	v57 =	vshll.u32 v51, $0x3;
	v29 =	vand.u32 $0x7F, v48;
	v32 =	vand.u32 $0xFFFFFC00, v56  }
0xde: {  	[tilespmem:s16+$0xFFFFFFC0] =	vst v36;
	v59 =	vand.u32 $0x7F, v51;
	v61 =	vld [tilespmem:s19+$0xFFFFFFF0];
	v58 =	vand.u32 $0xFFFFFC00, v57;
	v32 =	vadd.s32 v19, v32  }
0xdf: {  	[tilespmem:s16+$0xFFFFFF40] =	vst v33;
	v54 =	vld [tilespmem:s17+$0xFFFFFFD0];
	v60 =	vadd.s32 v17, v58;
	v29 =	vor.u32 v29, v32;
	v48 =	vshll.u32 v55, $0x3  }
0xe0: {  	v49 =	vld [tilespmem:s17+$0xFFFFFF50];
	v32 =	vor.u32 v59, v60;
	v29 =	vor.u32 v16, v29;
	v33 =	vand.u32 $0xFFFFFC00, v48  }
0xe1: {  	v32 =	vor.u32 v15, v32;
	v51 =	vand.u32 $0x7F, v55;
	[tilespmem:s21+$0xA0] =	vst v43;
	v33 =	vadd.s32 v18, v33  }
0xe2: {  	v53 =	vadd.s32 v25, v37;
	v25 =	vand.u32 $0x300, v35;
	v52 =	vld [tilespmem:s18+$0xB0];
	v33 =	vor.u32 v51, v33  }
0xe3: {  	v31 =	vor.u32 v31, v53;
	v50 =	vld.idx.msk [tilespmem:v24+s2+$0x0], $0xffff;
	v57 =	vshll.u32 v61, $0x3;
	v55 =	vor.u32 v12, v33  }
0xe4: {  	v24 =	vand.u32 $0x280, v42;
	v36 =	vand.u32 $0x7F, v54;
	v58 =	vld.idx.msk [tilespmem:v63+s2+$0x0], $0xffff;
	v59 =	vand.u32 $0xFFFFFC00, v57  }
0xe5: {  	v56 =	vand.u32 $0x7F, v61;
	v60 =	vshll.u32 v49, $0x3;
	v35 =	vadd.s32 v28, v59;
	v38 =	vld.idx.msk [tilespmem:v29+s2+$0x0], $0xffff  }
0xe6: {  	[tilespmem:s16+$0x40] =	vst v62;
	v28 =	vor.u32 v26, v31;
	v61 =	vand.u32 $0xFFFFFC00, v60;
	v26 =	vor.u32 v56, v35;
	v37 =	vld.idx.msk [tilespmem:v32+s2+$0x0], $0xffff  }
0xe7: {  	v29 =	vand.u32 $0x7F, v49;
	v32 =	vadd.s32 v11, v61;
	v33 =	vld [tilespmem:s17+$0x50];
	v31 =	vshll.u32 v52, $0x3  }
0xe8: {  	[tilespmem:s15+$0x60] =	vst v50;
	v26 =	vor.u32 v27, v26;
	v27 =	vand.u32 $0xFFFFFC00, v31;
	v31 =	vshll.u32 v54, $0x3;
	v35 =	vld.idx.msk [tilespmem:v55+s2+$0x0], $0xffff  }
0xe9: {  	s20 =	simm.s32 $0x3F80;
	[tilespmem:s15+$0xF0] =	vst v46;
	v62 =	vand.u32 $0x7F, v52;
	v63 =	vadd.s32 v20, v27;
	v31 =	vand.u32 $0xFFFFFC00, v31;
	v27 =	vld [tilespmem:s19+$0x70]  }
0xea: {  	s23 =	simm.s32 $0x10;
	v42 =	vld [tilespmem:s20+$0x80];
	[tilespmem:s21+$0xFFFFFF20] =	vst v58;
	v40 =	vor.u32 v29, v32;
	s19 =	simm.s32 $0x5980;
	v41 =	vor.u32 v62, v63;
	v39 =	vadd.s32 v9, v31  }
.LBB2_2:
0xeb: {  	p0 =	slt.u32 s23, $0x34;
	v32 =	vld [tilespmem:s20+$0xFFFFFF00];
	[tilespmem:s21+$0xFFFFFFA0] =	vst v38;
	v38 =	vor.u32 v21, v41;
	v40 =	vor.u32 v7, v40;
	v29 =	vor.u32 v36, v39  }
0xec: {  	v36 =	vld [tilespmem:s20+$0xFFFFFF80];
	[tilespmem:s21+$0x20] =	vst v37;
	v37 =	vor.u32 v8, v29;
	v39 =	vand.u32 $0x7F, v33;
	v31 =	vshll.u32 v33, $0x3  }
0xed: {  	s24 =	sadd.s32 $0x3, s22;
	s22 =	smov.u32 s23;
	v29 =	vand.u32 $0x3800, v30;
	v30 =	vand.u32 $0x3800, v34;
	v33 =	vld [tilespmem:s20+$0x0];
	v31 =	vand.u32 $0xFFFFFC00, v31  }
0xee: {  	v34 =	vmov s24;
	v41 =	vld [tilespmem:s18+$0xFFFFFF30];
	v43 =	vadd.s32 v6, v31;
	[tilespmem:s16+$0xE0] =	vst v35;
	v31 =	vshll.u32 v27, $0x3  }
0xef: {  	v35 =	vshll.u32 v34, $0x8;
	v44 =	vshll.u32 v42, $0x3;
	v39 =	vor.u32 v39, v43;
	v43 =	vld [tilespmem:s17+$0xF0]  }
0xf0: {  	v35 =	vand.u32 $0x3800, v35;
	v45 =	vshll.u32 v32, $0x3;
	v44 =	vand.u32 $0xFFFFFC00, v44;
	v38 =	vld.idx.msk [tilespmem:v38+s2+$0x0], $0xffff  }
0xf1: {  	v34 =	vshll.u32 v34, $0x7;
	v42 =	vand.u32 $0x7F, v42;
	v44 =	vadd.s32 v35, v44;
	v46 =	vld [tilespmem:s18+$0xFFFFFFB0]  }
0xf2: {  	v34 =	vand.u32 $0x380, v34;
	v47 =	vshll.u32 v36, $0x3;
	v42 =	vor.u32 v42, v44;
	v44 =	vld [tilespmem:s18+$0x30]  }
0xf3: {  	v45 =	vand.u32 $0xFFFFFC00, v45;
	v48 =	vshll.u32 v33, $0x3;
	v42 =	vor.u32 v34, v42;
	v40 =	vld.idx.msk [tilespmem:v40+s2+$0x0], $0xffff  }
0xf4: {  	v47 =	vand.u32 $0xFFFFFC00, v47;
	v48 =	vand.u32 $0xFFFFFC00, v48;
	v37 =	vld.idx.msk [tilespmem:v37+s2+$0x0], $0xffff;
	v49 =	vshll.u32 v43, $0x3  }
0xf5: {  	v45 =	vadd.s32 v23, v45;
	v47 =	vadd.s32 v29, v47;
	v49 =	vand.u32 $0xFFFFFC00, v49;
	v28 =	vld.idx.msk [tilespmem:v28+s2+$0x0], $0xffff  }
0xf6: {  	v48 =	vadd.s32 v30, v48;
	[tilespmem:s21+$0xB0] =	vst v38;
	v38 =	vand.u32 $0x7F, v43;
	v49 =	vadd.s32 v18, v49;
	v26 =	vld.idx.msk [tilespmem:v26+s2+$0x0], $0xffff  }
0xf7: {  	v32 =	vand.u32 $0x7F, v32;
	v36 =	vand.u32 $0x7F, v36;
	v18 =	vmovc v20;
	v20 =	vmovc v35;
	v43 =	vld [tilespmem:s18+$0xC0];
	v38 =	vor.u32 v38, v49  }
0xf8: {  	v33 =	vand.u32 $0x7F, v33;
	v32 =	vor.u32 v32, v45;
	v35 =	vld.idx.msk [tilespmem:v42+s2+$0x0], $0xffff;
	v38 =	vor.u32 v12, v38;
	v12 =	vmovc v21  }
0xf9: {  	v32 =	vor.u32 v22, v32;
	v45 =	vor.u32 v36, v47;
	v33 =	vor.u32 v33, v48;
	[tilespmem:s16+$0xFFFFFF50] =	vst v40  }
0xfa: {  	v36 =	vor.u32 v24, v45;
	v33 =	vor.u32 v25, v33;
	v21 =	vmovc v34;
	v40 =	vshll.u32 v41, $0x3;
	v42 =	vld [tilespmem:s17+$0xFFFFFF60];
	[tilespmem:s16+$0xFFFFFFD0] =	vst v37  }
0xfb: {  	v34 =	vand.u32 $0xFFFFFC00, v40;
	v37 =	vshll.u32 v46, $0x3;
	v40 =	vshll.u32 v44, $0x3;
	v45 =	vld [tilespmem:s17+$0xFFFFFFE0];
	[tilespmem:s15+$0xFFFFFF70] =	vst v28  }
0xfc: {  	v28 =	vand.u32 $0xFFFFFC00, v37;
	v37 =	vand.u32 $0xFFFFFC00, v40;
	v40 =	vshll.u32 v43, $0x3;
	[tilespmem:s15+$0xFFFFFFF0] =	vst v26  }
0xfd: {  	s21 =	sadd.s32 $0x200, s21;
	v26 =	vadd.s32 v14, v34;
	v28 =	vadd.s32 v19, v28;
	v34 =	vand.u32 $0xFFFFFC00, v40;
	v38 =	vld.idx.msk [tilespmem:v38+s2+$0x0], $0xffff  }
0xfe: {  	v32 =	vld.idx.msk [tilespmem:v32+s2+$0x0], $0xffff;
	[tilespmem:s21+$0x80] =	vst v35;
	v35 =	vadd.s32 v17, v37;
	v37 =	vand.u32 $0x7F, v43;
	v34 =	vadd.s32 v18, v34  }
0xff: {  	v41 =	vand.u32 $0x7F, v41;
	v43 =	vand.u32 $0x7F, v46;
	v40 =	vld [tilespmem:s20+$0x90];
	v34 =	vor.u32 v37, v34  }
0x100: {  	v26 =	vor.u32 v41, v26;
	v37 =	vand.u32 $0x7F, v44;
	v36 =	vld.idx.msk [tilespmem:v36+s2+$0x0], $0xffff;
	v34 =	vor.u32 v12, v34  }
0x101: {  	v26 =	vor.u32 v13, v26;
	v28 =	vor.u32 v43, v28;
	v35 =	vor.u32 v37, v35;
	v33 =	vld.idx.msk [tilespmem:v33+s2+$0x0], $0xffff  }
0x102: {  	v28 =	vor.u32 v16, v28;
	v37 =	vor.u32 v10, v39;
	v35 =	vor.u32 v15, v35  }
0x103: {  	v41 =	vshll.u32 v42, $0x3;
	v39 =	vand.u32 $0x7F, v42;
	v42 =	vshll.u32 v45, $0x3;
	[tilespmem:s16+$0xF0] =	vst v38  }
0x104: {  	v38 =	vand.u32 $0xFFFFFC00, v41;
	v41 =	vand.u32 $0xFFFFFC00, v42;
	[tilespmem:s21+$0xFFFFFF00] =	vst v32;
	v32 =	vshll.u32 v40, $0x3  }
0x105: {  	v38 =	vadd.s32 v11, v38;
	v41 =	vadd.s32 v9, v41;
	v32 =	vand.u32 $0xFFFFFC00, v32;
	v34 =	vld.idx.msk [tilespmem:v34+s2+$0x0], $0xffff  }
0x106: {  	v42 =	vld [tilespmem:s20+$0xFFFFFF10];
	[tilespmem:s21+$0xFFFFFF80] =	vst v36;
	v36 =	vand.u32 $0x7F, v40;
	v32 =	vadd.s32 v20, v32;
	v40 =	vand.u32 $0x7F, v45  }
0x107: {  	v43 =	vld [tilespmem:s20+$0xFFFFFF90];
	[tilespmem:s21+$0x0] =	vst v33;
	v32 =	vor.u32 v36, v32;
	v33 =	vor.u32 v39, v38;
	v36 =	vor.u32 v40, v41  }
0x108: {  	v38 =	vld [tilespmem:s20+$0x10];
	v32 =	vor.u32 v21, v32;
	v33 =	vor.u32 v7, v33;
	v36 =	vor.u32 v8, v36  }
0x109: {  	v27 =	vand.u32 $0x7F, v27;
	v31 =	vand.u32 $0xFFFFFC00, v31;
	v39 =	vmov s23;
	v26 =	vld.idx.msk [tilespmem:v26+s2+$0x0], $0xffff  }
0x10a: {  	v31 =	vadd.s32 v5, v31;
	v5 =	vmovc v6;
	v6 =	vmovc v17;
	v17 =	vmov v30;
	v40 =	vshll.u32 v39, $0x7;
	v28 =	vld.idx.msk [tilespmem:v28+s2+$0x0], $0xffff  }
0x10b: {  	v27 =	vor.u32 v27, v31;
	v30 =	vand.u32 $0x7F, v42;
	v41 =	vshll.u32 v42, $0x3;
	v35 =	vld.idx.msk [tilespmem:v35+s2+$0x0], $0xffff;
	[tilespmem:s19+$0xC0] =	vst v34  }
0x10c: {  	v31 =	vand.u32 $0xFFFFFC00, v41;
	v34 =	vand.u32 $0x7F, v43;
	v41 =	vshll.u32 v43, $0x3;
	v42 =	vld [tilespmem:s18+$0xD0]  }
0x10d: {  	v31 =	vadd.s32 v23, v31;
	v41 =	vand.u32 $0xFFFFFC00, v41;
	v43 =	vshll.u32 v38, $0x3;
	v32 =	vld.idx.msk [tilespmem:v32+s2+$0x0], $0xffff  }
0x10e: {  	v38 =	vand.u32 $0x7F, v38;
	v41 =	vadd.s32 v29, v41;
	v43 =	vand.u32 $0xFFFFFC00, v43;
	v37 =	vld.idx.msk [tilespmem:v37+s2+$0x0], $0xffff  }
0x10f: {  	v30 =	vor.u32 v30, v31;
	v31 =	vor.u32 v34, v41;
	v34 =	vadd.s32 v17, v43;
	[tilespmem:s19+$0xFFFFFF30] =	vst v26  }
0x110: {  	v26 =	vor.u32 v22, v30;
	v30 =	vor.u32 v24, v31;
	v31 =	vor.u32 v38, v34;
	v34 =	vld [tilespmem:s18+$0xFFFFFF40];
	[tilespmem:s19+$0xFFFFFFB0] =	vst v28  }
0x111: {  	s24 =	sadd.s32 $0x1, s23;
	v38 =	vor.u32 v4, v27;
	v4 =	vmovc v10;
	v28 =	vor.u32 v25, v31;
	v31 =	vld [tilespmem:s18+$0xFFFFFFC0];
	[tilespmem:s19+$0x30] =	vst v35;
	v35 =	vshll.u32 v42, $0x3  }
0x112: {  	v39 =	vshll.u32 v39, $0x8;
	v41 =	vmov s24;
	s24 =	sadd.s32 $0x2, s23;
	v10 =	vmovc v15;
	v15 =	vmovc v25;
	v43 =	vld [tilespmem:s18+$0x40];
	v27 =	vand.u32 $0xFFFFFC00, v35  }
0x113: {  	v25 =	vmov s24;
	[tilespmem:s21+$0x90] =	vst v32;
	v32 =	vand.u32 $0x7F, v42;
	v35 =	vadd.s32 v18, v27;
	v33 =	vld.idx.msk [tilespmem:v33+s2+$0x0], $0xffff  }
0x114: {  	v27 =	vand.u32 $0x200, v40;
	v40 =	vshll.u32 v41, $0x7;
	v42 =	vld [tilespmem:s20+$0xA0];
	v32 =	vor.u32 v32, v35;
	[tilespmem:s16+$0x50] =	vst v37  }
0x115: {  	v26 =	vld.idx.msk [tilespmem:v26+s2+$0x0], $0xffff;
	v35 =	vand.u32 $0x7F, v34;
	v34 =	vshll.u32 v34, $0x3;
	v32 =	vor.u32 v12, v32  }
0x116: {  	v30 =	vld.idx.msk [tilespmem:v30+s2+$0x0], $0xffff;
	v34 =	vand.u32 $0xFFFFFC00, v34;
	v37 =	vand.u32 $0x7F, v31;
	v31 =	vshll.u32 v31, $0x3  }
0x117: {  	v28 =	vld.idx.msk [tilespmem:v28+s2+$0x0], $0xffff;
	v34 =	vadd.s32 v14, v34;
	v31 =	vand.u32 $0xFFFFFC00, v31;
	v44 =	vshll.u32 v43, $0x3  }
0x118: {  	v43 =	vand.u32 $0x7F, v43;
	v31 =	vadd.s32 v19, v31;
	v44 =	vand.u32 $0xFFFFFC00, v44;
	v45 =	vld [tilespmem:s17+$0x60]  }
0x119: {  	v34 =	vor.u32 v35, v34;
	v46 =	vshll.u32 v42, $0x3;
	v35 =	vadd.s32 v6, v44;
	[tilespmem:s16+$0xFFFFFF60] =	vst v33;
	v33 =	vld.idx.msk [tilespmem:v36+s2+$0x0], $0xffff  }
0x11a: {  	v31 =	vor.u32 v37, v31;
	v36 =	vand.u32 $0xFFFFFC00, v46;
	v35 =	vor.u32 v43, v35;
	v32 =	vld.idx.msk [tilespmem:v32+s2+$0x0], $0xffff  }
0x11b: {  	v37 =	vor.u32 v13, v34;
	[tilespmem:s21+$0xFFFFFF10] =	vst v26;
	v26 =	vand.u32 $0x7F, v42;
	v36 =	vadd.s32 v20, v36;
	v42 =	vld [tilespmem:s17+$0xFFFFFF70]  }
0x11c: {  	v31 =	vor.u32 v16, v31;
	v35 =	vor.u32 v10, v35;
	v43 =	vld [tilespmem:s20+$0xFFFFFF20];
	[tilespmem:s21+$0xFFFFFF90] =	vst v30;
	v26 =	vor.u32 v26, v36  }
0x11d: {  	v36 =	vld [tilespmem:s20+$0xFFFFFFA0];
	[tilespmem:s21+$0x10] =	vst v28;
	v26 =	vor.u32 v21, v26;
	v28 =	vand.u32 $0x7F, v45;
	v30 =	vshll.u32 v45, $0x3  }
0x11e: {  	v39 =	vand.u32 $0x3800, v39;
	v44 =	vshll.u32 v25, $0x7;
	v45 =	vld [tilespmem:s20+$0x20];
	v46 =	vand.u32 $0xFFFFFC00, v30  }
0x11f: {  	v34 =	vshll.u32 v25, $0x8;
	v30 =	vshll.u32 v41, $0x8;
	[tilespmem:s16+$0xFFFFFFE0] =	vst v33;
	v25 =	vadd.s32 v5, v46;
	v33 =	vld.idx.msk [tilespmem:v38+s2+$0x0], $0xffff  }
0x120: {  	v37 =	vld.idx.msk [tilespmem:v37+s2+$0x0], $0xffff;
	[tilespmem:s19+$0xD0] =	vst v32;
	v32 =	vand.u32 $0x7F, v42;
	v38 =	vshll.u32 v42, $0x3;
	v25 =	vor.u32 v28, v25  }
0x121: {  	v28 =	vand.u32 $0x7F, v43;
	v41 =	vshll.u32 v43, $0x3;
	v42 =	vld [tilespmem:s18+$0xE0];
	v25 =	vor.u32 v4, v25  }
0x122: {  	v41 =	vand.u32 $0xFFFFFC00, v41;
	v43 =	vand.u32 $0x7F, v36;
	v36 =	vshll.u32 v36, $0x3;
	v26 =	vld.idx.msk [tilespmem:v26+s2+$0x0], $0xffff  }
0x123: {  	v41 =	vadd.s32 v23, v41;
	v36 =	vand.u32 $0xFFFFFC00, v36;
	v46 =	vshll.u32 v45, $0x3;
	v31 =	vld.idx.msk [tilespmem:v31+s2+$0x0], $0xffff  }
0x124: {  	v45 =	vand.u32 $0x7F, v45;
	v36 =	vadd.s32 v29, v36;
	v46 =	vand.u32 $0xFFFFFC00, v46;
	v35 =	vld.idx.msk [tilespmem:v35+s2+$0x0], $0xffff  }
0x125: {  	v28 =	vor.u32 v28, v41;
	v36 =	vor.u32 v43, v36;
	v41 =	vadd.s32 v17, v46;
	v43 =	vld [tilespmem:s17+$0xFFFFFFF0];
	[tilespmem:s15+$0x70] =	vst v33;
	s15 =	smov.u32 s16;
	s16 =	smov.u32 s19;
	s19 =	smov.u32 s21  }
0x126: {  	v28 =	vor.u32 v22, v28;
	v33 =	vor.u32 v45, v41;
	[tilespmem:s16+$0xFFFFFF40] =	vst v37;
	v37 =	vshll.u32 v42, $0x3;
	v41 =	vld.idx.msk [tilespmem:v25+s2+$0x0], $0xffff  }
0x127: {  	v36 =	vor.u32 v24, v36;
	v33 =	vor.u32 v15, v33;
	v45 =	vld [tilespmem:s18+$0xFFFFFF50];
	v25 =	vand.u32 $0xFFFFFC00, v37  }
0x128: {  	v37 =	vand.u32 $0xFFFFFC00, v38;
	[tilespmem:s21+$0xA0] =	vst v26;
	v26 =	vand.u32 $0x7F, v42;
	v25 =	vadd.s32 v18, v25  }
0x129: {  	v40 =	vand.u32 $0x280, v40;
	v42 =	vld [tilespmem:s20+$0xB0];
	[tilespmem:s16+$0xFFFFFFC0] =	vst v31;
	v25 =	vor.u32 v26, v25;
	v26 =	vadd.s32 v11, v37;
	v11 =	vmovc v14  }
0x12a: {  	v14 =	vmovc v23;
	v23 =	vmovc v39;
	v31 =	vld [tilespmem:s18+$0xFFFFFFD0];
	[tilespmem:s16+$0x40] =	vst v35;
	v35 =	vor.u32 v12, v25;
	v46 =	vand.u32 $0x7F, v43;
	v37 =	vshll.u32 v43, $0x3  }
0x12b: {  	v25 =	vand.u32 $0x300, v44;
	v26 =	vor.u32 v32, v26;
	v39 =	vld.idx.msk [tilespmem:v28+s2+$0x0], $0xffff;
	v28 =	vand.u32 $0xFFFFFC00, v37  }
0x12c: {  	v38 =	vld.idx.msk [tilespmem:v36+s2+$0x0], $0xffff;
	v32 =	vand.u32 $0x7F, v45;
	v36 =	vshll.u32 v45, $0x3;
	v43 =	vadd.s32 v9, v28;
	[tilespmem:s15+$0x60] =	vst v41;
	v9 =	vmovc v19  }
.Ltmp0:
0x12d: {  	v28 =	vor.u32 v7, v26;
	v19 =	vmovc v29;
	v37 =	vld.idx.msk [tilespmem:v33+s2+$0x0], $0xffff;
	v33 =	vand.u32 $0xFFFFFC00, v36;
	v36 =	vor.u32 v46, v43;
	(pc) =	sbr.rel @p0 .LBB2_2-.Ltmp0, $4  }
0x12e: {  	v7 =	vmovc v13;
	v13 =	vmovc v22;
	v29 =	vshll.u32 v42, $0x3;
	v43 =	vadd.s32 v11, v33;
	v33 =	vld [tilespmem:s18+$0x50];
	v26 =	vor.u32 v8, v36  }
0x12f: {  	v22 =	vmovc v27;
	v8 =	vmovc v16;
	v29 =	vand.u32 $0xFFFFFC00, v29;
	v36 =	vand.u32 $0x7F, v31;
	v31 =	vshll.u32 v31, $0x3;
	v35 =	vld.idx.msk [tilespmem:v35+s2+$0x0], $0xffff  }
0x130: {  	v41 =	vand.u32 $0x7F, v42;
	v16 =	vmovc v24;
	v24 =	vmovc v40;
	v29 =	vadd.s32 v20, v29;
	v31 =	vand.u32 $0xFFFFFC00, v31;
	v27 =	vld [tilespmem:s17+$0x70];
	s17 =	smov.u32 s18;
	s18 =	smov.u32 s20;
	s20 =	sadd.s32 $0x200, s20  }
0x131: {  	s23 =	sadd.s32 $0x4, s23;
	v40 =	vor.u32 v32, v43;
	v42 =	vld [tilespmem:s20+$0x80];
	[tilespmem:s21+$0xFFFFFF20] =	vst v39;
	v41 =	vor.u32 v41, v29;
	v39 =	vadd.s32 v9, v31  }
0x132: {  	v44 =	vld [tilespmem:s20+$0xFFFFFF00]  }
0x133: {  	v50 =	vld [tilespmem:s20+$0xFFFFFF80]  }
0x134: {  	s22 =	sadd.s32 $0x3, s22;
	v46 =	vld [tilespmem:s20+$0x0]  }
0x135: {  	v29 =	vmov s22  }
0x136: {  	v30 =	vand.u32 $0x3800, v30;
	v31 =	vshll.u32 v29, $0x8;
	v29 =	vshll.u32 v29, $0x7  }
0x137: {  	v32 =	vand.u32 $0x3800, v31;
	v31 =	vand.u32 $0x380, v29;
	v43 =	vshll.u32 v42, $0x3  }
0x138: {  	v29 =	vand.u32 $0x3800, v34;
	v51 =	vand.u32 $0x7F, v42;
	v49 =	vand.u32 $0xFFFFFC00, v43  }
0x139: {  	v53 =	vshll.u32 v44, $0x3;
	v54 =	vshll.u32 v50, $0x3;
	v47 =	vshll.u32 v46, $0x3  }
0x13a: {  	v44 =	vand.u32 $0x7F, v44;
	v43 =	vand.u32 $0x7F, v50;
	v45 =	vadd.s32 v32, v49  }
0x13b: {  	v56 =	vand.u32 $0x7F, v46;
	v34 =	vand.u32 $0xFFFFFC00, v53;
	v52 =	vor.u32 v51, v45  }
0x13c: {  	v45 =	vand.u32 $0xFFFFFC00, v54;
	v34 =	vadd.s32 v23, v34;
	v42 =	vor.u32 v31, v52  }
0x13d: {  	v55 =	vand.u32 $0xFFFFFC00, v47;
	v45 =	vadd.s32 v30, v45;
	v34 =	vor.u32 v44, v34  }
0x13e: {  	v44 =	vadd.s32 v29, v55;
	v34 =	vor.u32 v22, v34;
	v43 =	vor.u32 v43, v45  }
0x13f: {  	v44 =	vor.u32 v56, v44;
	v43 =	vor.u32 v24, v43  }
0x140: {  	v44 =	vor.u32 v25, v44  }
0x141: {  	v42 =	vld.idx.msk [tilespmem:v42+s2+$0x0], $0xffff;
	_ =	sdelay $0x1  }
0x142: {  	v34 =	vld.idx.msk [tilespmem:v34+s2+$0x0], $0xffff  }
0x143: {  	v43 =	vld.idx.msk [tilespmem:v43+s2+$0x0], $0xffff  }
0x144: {  	s31 =	sadd.s32 $0x200, s21;
	v44 =	vld.idx.msk [tilespmem:v44+s2+$0x0], $0xffff  }
0x145: {  	[tilespmem:s31+$0x80] =	vst v42  }
0x146: {  	v42 =	vld [tilespmem:s20+$0x90]  }
0x147: {  	[tilespmem:s31+$0xFFFFFF00] =	vst v34  }
0x148: {  	v59 =	vld [tilespmem:s20+$0xFFFFFF10];
	[tilespmem:s31+$0xFFFFFF80] =	vst v43  }
0x149: {  	[tilespmem:s31+$0x0] =	vst v44;
	v43 =	vld [tilespmem:s20+$0xFFFFFF90]  }
0x14a: {  	v60 =	vld [tilespmem:s20+$0x10]  }
0x14b: {  	v57 =	vshll.u32 v42, $0x3  }
0x14c: {  	v42 =	vand.u32 $0x7F, v42;
	v58 =	vand.u32 $0xFFFFFC00, v57  }
0x14d: {  	v61 =	vshll.u32 v59, $0x3;
	v45 =	vand.u32 $0x7F, v59;
	v34 =	vadd.s32 v32, v58  }
0x14e: {  	v44 =	vand.u32 $0xFFFFFC00, v61;
	v62 =	vshll.u32 v43, $0x3;
	v43 =	vand.u32 $0x7F, v43  }
0x14f: {  	v63 =	vshll.u32 v60, $0x3;
	v34 =	vor.u32 v42, v34;
	v44 =	vadd.s32 v23, v44  }
0x150: {  	v46 =	vand.u32 $0xFFFFFC00, v62;
	v48 =	vand.u32 $0xFFFFFC00, v63;
	v34 =	vor.u32 v31, v34  }
0x151: {  	v42 =	vand.u32 $0x7F, v60;
	v46 =	vadd.s32 v30, v46;
	v44 =	vor.u32 v45, v44  }
0x152: {  	v45 =	vadd.s32 v29, v48;
	v43 =	vor.u32 v43, v46;
	v44 =	vor.u32 v22, v44  }
0x153: {  	v42 =	vor.u32 v42, v45;
	v43 =	vor.u32 v24, v43  }
0x154: {  	v42 =	vor.u32 v25, v42  }
0x155: {  	v34 =	vld.idx.msk [tilespmem:v34+s2+$0x0], $0xffff  }
0x156: {  	v49 =	vld [tilespmem:s18+$0xFFFFFF30]  }
0x157: {  	v44 =	vld.idx.msk [tilespmem:v44+s2+$0x0], $0xffff  }
0x158: {  	v43 =	vld.idx.msk [tilespmem:v43+s2+$0x0], $0xffff  }
0x159: {  	v42 =	vld.idx.msk [tilespmem:v42+s2+$0x0], $0xffff  }
0x15a: {  	[tilespmem:s31+$0x90] =	vst v34  }
0x15b: {  	v34 =	vld [tilespmem:s20+$0xA0]  }
0x15c: {  	[tilespmem:s31+$0xFFFFFF10] =	vst v44  }
0x15d: {  	v53 =	vshll.u32 v49, $0x3;
	v52 =	vld [tilespmem:s20+$0xFFFFFF20];
	[tilespmem:s31+$0xFFFFFF90] =	vst v43  }
0x15e: {  	v43 =	vand.u32 $0xFFFFFC00, v53;
	[tilespmem:s31+$0x10] =	vst v42;
	v54 =	vld [tilespmem:s20+$0xFFFFFFA0]  }
0x15f: {  	v56 =	vand.u32 $0x7F, v49;
	v55 =	vadd.s32 v14, v43;
	v57 =	vld [tilespmem:s20+$0x20]  }
0x160: {  	v41 =	vor.u32 v21, v41;
	v42 =	vor.u32 v56, v55;
	v50 =	vshll.u32 v34, $0x3  }
0x161: {  	v42 =	vor.u32 v13, v42;
	v34 =	vand.u32 $0x7F, v34;
	v51 =	vand.u32 $0xFFFFFC00, v50  }
0x162: {  	v58 =	vand.u32 $0x7F, v52;
	v59 =	vshll.u32 v52, $0x3;
	v44 =	vadd.s32 v32, v51  }
0x163: {  	v60 =	vshll.u32 v54, $0x3;
	v45 =	vand.u32 $0xFFFFFC00, v59;
	v47 =	vand.u32 $0x7F, v54  }
0x164: {  	v48 =	vshll.u32 v57, $0x3;
	v34 =	vor.u32 v34, v44;
	v46 =	vand.u32 $0xFFFFFC00, v60  }
0x165: {  	v45 =	vadd.s32 v23, v45;
	v62 =	vand.u32 $0xFFFFFC00, v48;
	v48 =	vld.idx.msk [tilespmem:v41+s2+$0x0], $0xffff;
	v34 =	vor.u32 v31, v34  }
0x166: {  	[tilespmem:s21+$0xFFFFFFA0] =	vst v38;
	v61 =	vand.u32 $0x7F, v57;
	v46 =	vadd.s32 v30, v46;
	v43 =	vor.u32 v58, v45  }
0x167: {  	[tilespmem:s21+$0x20] =	vst v37;
	v63 =	vld [tilespmem:s18+$0xFFFFFFB0];
	v44 =	vadd.s32 v29, v62;
	v46 =	vor.u32 v47, v46;
	v43 =	vor.u32 v22, v43  }
0x168: {  	v50 =	vld [tilespmem:s18+$0x30];
	v38 =	vor.u32 v61, v44;
	v49 =	vor.u32 v24, v46  }
0x169: {  	v42 =	vld.idx.msk [tilespmem:v42+s2+$0x0], $0xffff;
	v38 =	vor.u32 v25, v38  }
0x16a: {  	[tilespmem:s21+$0xB0] =	vst v48;
	v34 =	vld.idx.msk [tilespmem:v34+s2+$0x0], $0xffff  }
0x16b: {  	v53 =	vld [tilespmem:s18+$0xC0]  }
0x16c: {  	v51 =	vshll.u32 v63, $0x3;
	v43 =	vld.idx.msk [tilespmem:v43+s2+$0x0], $0xffff  }
0x16d: {  	v46 =	vand.u32 $0xFFFFFC00, v51;
	v41 =	vld.idx.msk [tilespmem:v49+s2+$0x0], $0xffff  }
0x16e: {  	v45 =	vand.u32 $0x7F, v63;
	v52 =	vadd.s32 v19, v46;
	v38 =	vld.idx.msk [tilespmem:v38+s2+$0x0], $0xffff  }
0x16f: {  	v54 =	vshll.u32 v50, $0x3;
	v37 =	vor.u32 v45, v52;
	[tilespmem:s19+$0xFFFFFF30] =	vst v42  }
0x170: {  	v55 =	vand.u32 $0xFFFFFC00, v54;
	v37 =	vor.u32 v16, v37;
	[tilespmem:s31+$0xA0] =	vst v34  }
0x171: {  	v57 =	vand.u32 $0x7F, v50;
	v42 =	vadd.s32 v17, v55;
	v34 =	vld [tilespmem:s20+$0xB0];
	[tilespmem:s31+$0xFFFFFF20] =	vst v43  }
0x172: {  	v42 =	vor.u32 v57, v42;
	[tilespmem:s31+$0xFFFFFFA0] =	vst v41;
	v59 =	vld [tilespmem:s20+$0xFFFFFF30]  }
0x173: {  	v42 =	vor.u32 v15, v42;
	v62 =	vshll.u32 v53, $0x3;
	[tilespmem:s31+$0x20] =	vst v38;
	v61 =	vld [tilespmem:s20+$0xFFFFFFB0]  }
0x174: {  	v40 =	vor.u32 v7, v40;
	v36 =	vor.u32 v36, v39;
	v44 =	vand.u32 $0xFFFFFC00, v62;
	v63 =	vld [tilespmem:s20+$0x30]  }
0x175: {  	v36 =	vor.u32 v8, v36;
	v37 =	vld.idx.msk [tilespmem:v37+s2+$0x0], $0xffff;
	v52 =	vand.u32 $0x7F, v53;
	v44 =	vadd.s32 v20, v44  }
0x176: {  	v39 =	vor.u32 v52, v44;
	v56 =	vshll.u32 v34, $0x3;
	v34 =	vand.u32 $0x7F, v34  }
0x177: {  	v58 =	vand.u32 $0xFFFFFC00, v56;
	v55 =	vshll.u32 v59, $0x3;
	v41 =	vand.u32 $0x7F, v59  }
0x178: {  	v42 =	vld.idx.msk [tilespmem:v42+s2+$0x0], $0xffff;
	v60 =	vadd.s32 v32, v58;
	v46 =	vand.u32 $0xFFFFFC00, v55;
	v56 =	vshll.u32 v61, $0x3  }
0x179: {  	v45 =	vld [tilespmem:s18+$0xFFFFFF40];
	v57 =	vshll.u32 v63, $0x3;
	v34 =	vor.u32 v34, v60;
	v46 =	vadd.s32 v23, v46  }
0x17a: {  	v36 =	vld.idx.msk [tilespmem:v36+s2+$0x0], $0xffff;
	[tilespmem:s19+$0xFFFFFFB0] =	vst v37;
	v58 =	vand.u32 $0xFFFFFC00, v56;
	v34 =	vor.u32 v31, v34;
	v41 =	vor.u32 v41, v46  }
0x17b: {  	v59 =	vld [tilespmem:s18+$0xFFFFFFC0];
	v38 =	vand.u32 $0x7F, v61;
	v37 =	vadd.s32 v30, v58;
	v41 =	vor.u32 v22, v41  }
0x17c: {  	[tilespmem:s16+$0xE0] =	vst v35;
	v53 =	vld.idx.msk [tilespmem:v40+s2+$0x0], $0xffff;
	v39 =	vor.u32 v21, v39;
	v60 =	vand.u32 $0xFFFFFC00, v57;
	v37 =	vor.u32 v38, v37  }
0x17d: {  	v40 =	vld [tilespmem:s17+$0xF0];
	[tilespmem:s19+$0x30] =	vst v42;
	v43 =	vand.u32 $0x7F, v63;
	v35 =	vadd.s32 v29, v60;
	v37 =	vor.u32 v24, v37  }
0x17e: {  	v54 =	vshll.u32 v45, $0x3;
	v62 =	vld [tilespmem:s18+$0x40];
	v35 =	vor.u32 v43, v35  }
0x17f: {  	v61 =	vand.u32 $0xFFFFFC00, v54;
	v48 =	vor.u32 v25, v35;
	v34 =	vld.idx.msk [tilespmem:v34+s2+$0x0], $0xffff  }
0x180: {  	v63 =	vand.u32 $0x7F, v45;
	v42 =	vadd.s32 v14, v61;
	v49 =	vshll.u32 v59, $0x3;
	v41 =	vld.idx.msk [tilespmem:v41+s2+$0x0], $0xffff  }
0x181: {  	v39 =	vld.idx.msk [tilespmem:v39+s2+$0x0], $0xffff;
	v42 =	vor.u32 v63, v42;
	v35 =	vand.u32 $0xFFFFFC00, v49  }
0x182: {  	[tilespmem:s16+$0xFFFFFFD0] =	vst v36;
	v42 =	vor.u32 v13, v42;
	v52 =	vand.u32 $0x7F, v59;
	v35 =	vadd.s32 v19, v35;
	v37 =	vld.idx.msk [tilespmem:v37+s2+$0x0], $0xffff  }
0x183: {  	v51 =	vshll.u32 v33, $0x3;
	[tilespmem:s16+$0xFFFFFF50] =	vst v53;
	v46 =	vld [tilespmem:s17+$0xFFFFFFE0];
	v35 =	vor.u32 v52, v35  }
0x184: {  	v53 =	vand.u32 $0x7F, v33;
	v45 =	vand.u32 $0xFFFFFC00, v51;
	v35 =	vor.u32 v16, v35;
	[tilespmem:s31+$0xB0] =	vst v34;
	v34 =	vld.idx.msk [tilespmem:v48+s2+$0x0], $0xffff  }
0x185: {  	v55 =	vshll.u32 v40, $0x3;
	v45 =	vadd.s32 v6, v45;
	v54 =	vshll.u32 v62, $0x3;
	v50 =	vld [tilespmem:s20+$0xC0];
	[tilespmem:s31+$0xFFFFFF30] =	vst v41  }
0x186: {  	v40 =	vand.u32 $0x7F, v40;
	v33 =	vor.u32 v53, v45;
	v36 =	vand.u32 $0xFFFFFC00, v54;
	v59 =	vld [tilespmem:s20+$0xFFFFFF40]  }
0x187: {  	v60 =	vand.u32 $0xFFFFFC00, v55;
	v43 =	vand.u32 $0x7F, v62;
	v36 =	vadd.s32 v17, v36;
	v42 =	vld.idx.msk [tilespmem:v42+s2+$0x0], $0xffff;
	[tilespmem:s31+$0xFFFFFFB0] =	vst v37  }
0x188: {  	v18 =	vadd.s32 v18, v60;
	v33 =	vor.u32 v10, v33;
	v36 =	vor.u32 v43, v36;
	v62 =	vld [tilespmem:s20+$0xFFFFFFC0]  }
0x189: {  	v18 =	vor.u32 v40, v18;
	v36 =	vor.u32 v15, v36;
	v35 =	vld.idx.msk [tilespmem:v35+s2+$0x0], $0xffff;
	[tilespmem:s31+$0x30] =	vst v34  }
0x18a: {  	v12 =	vor.u32 v12, v18;
	v53 =	vshll.u32 v46, $0x3;
	v56 =	vshll.u32 v50, $0x3;
	v52 =	vld [tilespmem:s20+$0x40]  }
0x18b: {  	v57 =	vand.u32 $0x7F, v50;
	v47 =	vand.u32 $0xFFFFFC00, v56;
	v55 =	vshll.u32 v59, $0x3  }
0x18c: {  	v38 =	vld [tilespmem:s17+$0xFFFFFF60];
	[tilespmem:s19+$0xC0] =	vst v39;
	v44 =	vand.u32 $0x7F, v59;
	v58 =	vadd.s32 v32, v47;
	v48 =	vand.u32 $0xFFFFFC00, v55  }
0x18d: {  	v45 =	vld [tilespmem:s18+$0xD0];
	v49 =	vshll.u32 v62, $0x3;
	v41 =	vand.u32 $0x7F, v62;
	v61 =	vor.u32 v57, v58  }
0x18e: {  	v36 =	vld.idx.msk [tilespmem:v36+s2+$0x0], $0xffff;
	[tilespmem:s19+$0xFFFFFFC0] =	vst v35;
	v56 =	vadd.s32 v23, v48;
	v57 =	vand.u32 $0xFFFFFC00, v49;
	v63 =	vor.u32 v31, v61  }
0x18f: {  	[tilespmem:s19+$0xFFFFFF40] =	vst v42;
	v60 =	vld [tilespmem:s18+$0xFFFFFFD0];
	v48 =	vadd.s32 v30, v57;
	v42 =	vor.u32 v44, v56;
	v59 =	vshll.u32 v52, $0x3  }
0x190: {  	v41 =	vor.u32 v41, v48;
	v42 =	vor.u32 v22, v42;
	v35 =	vand.u32 $0xFFFFFC00, v59  }
0x191: {  	v33 =	vld.idx.msk [tilespmem:v33+s2+$0x0], $0xffff;
	v39 =	vand.u32 $0x7F, v52;
	v41 =	vor.u32 v24, v41;
	v35 =	vadd.s32 v29, v35  }
0x192: {  	v40 =	vand.u32 $0x7F, v38;
	v38 =	vshll.u32 v38, $0x3;
	v58 =	vld [tilespmem:s18+$0xFFFFFF50];
	v35 =	vor.u32 v39, v35  }
0x193: {  	v43 =	vand.u32 $0xFFFFFC00, v53;
	v54 =	vshll.u32 v45, $0x3;
	[tilespmem:s19+$0x40] =	vst v36;
	v37 =	vld.idx.msk [tilespmem:v63+s2+$0x0], $0xffff;
	v35 =	vor.u32 v25, v35  }
0x194: {  	v38 =	vand.u32 $0xFFFFFC00, v38;
	v47 =	vand.u32 $0xFFFFFC00, v54;
	v53 =	vshll.u32 v60, $0x3;
	v63 =	vld [tilespmem:s18+$0x50]  }
0x195: {  	v34 =	vshll.u32 v27, $0x3;
	v62 =	vadd.s32 v20, v47;
	v47 =	vand.u32 $0xFFFFFC00, v53;
	v42 =	vld.idx.msk [tilespmem:v42+s2+$0x0], $0xffff  }
0x196: {  	[tilespmem:s16+$0x50] =	vst v33;
	v61 =	vand.u32 $0x7F, v45;
	v44 =	vand.u32 $0x7F, v60;
	v47 =	vadd.s32 v19, v47;
	v41 =	vld.idx.msk [tilespmem:v41+s2+$0x0], $0xffff  }
0x197: {  	v36 =	vor.u32 v61, v62;
	v51 =	vshll.u32 v58, $0x3;
	v56 =	vor.u32 v44, v47;
	v47 =	vld [tilespmem:s17+$0x60]  }
0x198: {  	v36 =	vor.u32 v21, v36;
	[tilespmem:s31+$0xC0] =	vst v37;
	v37 =	vadd.s32 v11, v38;
	v38 =	vand.u32 $0xFFFFFC00, v51;
	v35 =	vld.idx.msk [tilespmem:v35+s2+$0x0], $0xffff  }
0x199: {  	v54 =	vand.u32 $0x7F, v58;
	v52 =	vld [tilespmem:s20+$0xD0];
	v38 =	vadd.s32 v14, v38;
	v37 =	vor.u32 v40, v37  }
0x19a: {  	v57 =	vshll.u32 v63, $0x3;
	[tilespmem:s31+$0xFFFFFF40] =	vst v42;
	v38 =	vor.u32 v54, v38;
	v50 =	vor.u32 v7, v37  }
0x19b: {  	v27 =	vand.u32 $0x7F, v27;
	v44 =	vand.u32 $0xFFFFFC00, v57;
	v61 =	vld [tilespmem:s20+$0xFFFFFF50];
	[tilespmem:s31+$0xFFFFFFC0] =	vst v41;
	v55 =	vor.u32 v13, v38  }
0x19c: {  	v45 =	vand.u32 $0x7F, v63;
	v44 =	vadd.s32 v17, v44;
	v38 =	vor.u32 v16, v56;
	v63 =	vld [tilespmem:s20+$0xFFFFFFD0]  }
0x19d: {  	v34 =	vand.u32 $0xFFFFFC00, v34;
	v62 =	vadd.s32 v9, v43;
	v36 =	vld.idx.msk [tilespmem:v36+s2+$0x0], $0xffff;
	v59 =	vor.u32 v45, v44;
	[tilespmem:s31+$0x40] =	vst v35  }
0x19e: {  	v58 =	vshll.u32 v52, $0x3;
	v39 =	vand.u32 $0x7F, v52;
	v51 =	vld [tilespmem:s20+$0x50];
	v52 =	vshll.u32 v47, $0x3  }
0x19f: {  	v42 =	vor.u32 v15, v59;
	v48 =	vand.u32 $0xFFFFFC00, v58;
	v54 =	vand.u32 $0xFFFFFC00, v52;
	v35 =	vld.idx.msk [tilespmem:v50+s2+$0x0], $0xffff  }
0x1a0: {  	v56 =	vshll.u32 v61, $0x3;
	v57 =	vand.u32 $0x7F, v61;
	v60 =	vadd.s32 v32, v48;
	v33 =	vld.idx.msk [tilespmem:v55+s2+$0x0], $0xffff  }
0x1a1: {  	v48 =	vand.u32 $0x7F, v46;
	v53 =	vld.idx.msk [tilespmem:v38+s2+$0x0], $0xffff;
	v41 =	vand.u32 $0xFFFFFC00, v56;
	v58 =	vshll.u32 v63, $0x3  }
0x1a2: {  	[tilespmem:s19+$0xD0] =	vst v36;
	v43 =	vand.u32 $0x7F, v63;
	v39 =	vor.u32 v39, v60;
	v49 =	vor.u32 v48, v62  }
0x1a3: {  	v55 =	vld [tilespmem:s18+$0xE0];
	v41 =	vadd.s32 v23, v41;
	v45 =	vand.u32 $0xFFFFFC00, v58;
	v39 =	vor.u32 v31, v39  }
0x1a4: {  	v42 =	vld.idx.msk [tilespmem:v42+s2+$0x0], $0xffff;
	v18 =	vor.u32 v8, v49;
	v60 =	vadd.s32 v30, v45;
	v61 =	vshll.u32 v51, $0x3;
	[tilespmem:s16+$0xFFFFFF60] =	vst v35  }
0x1a5: {  	v59 =	vor.u32 v57, v41;
	v63 =	vor.u32 v43, v60;
	v46 =	vand.u32 $0xFFFFFC00, v61;
	[tilespmem:s19+$0xFFFFFF50] =	vst v33;
	v56 =	vld [tilespmem:s17+$0xFFFFFF70]  }
0x1a6: {  	v37 =	vand.u32 $0x7F, v51;
	v36 =	vor.u32 v24, v63;
	[tilespmem:s19+$0xFFFFFFD0] =	vst v53;
	v41 =	vadd.s32 v29, v46;
	v62 =	vld [tilespmem:s18+$0xFFFFFF60]  }
0x1a7: {  	v38 =	vadd.s32 v6, v54;
	v33 =	vor.u32 v22, v59;
	v48 =	vld [tilespmem:s18+$0xFFFFFFE0];
	v37 =	vor.u32 v37, v41  }
0x1a8: {  	v49 =	vand.u32 $0x7F, v47;
	v50 =	vshll.u32 v55, $0x3;
	v39 =	vld.idx.msk [tilespmem:v39+s2+$0x0], $0xffff;
	v37 =	vor.u32 v25, v37  }
0x1a9: {  	v5 =	vadd.s32 v5, v34;
	v38 =	vor.u32 v49, v38;
	[tilespmem:s19+$0x50] =	vst v42;
	v52 =	vand.u32 $0xFFFFFC00, v50;
	v18 =	vld.idx.msk [tilespmem:v18+s2+$0x0], $0xffff  }
0x1aa: {  	v51 =	vor.u32 v10, v38;
	v53 =	vand.u32 $0x7F, v55;
	v42 =	vld [tilespmem:s18+$0x60];
	v38 =	vadd.s32 v20, v52  }
0x1ab: {  	v5 =	vor.u32 v27, v5;
	v27 =	vor.u32 v53, v38;
	v36 =	vld.idx.msk [tilespmem:v36+s2+$0x0], $0xffff  }
0x1ac: {  	v4 =	vor.u32 v4, v5;
	v27 =	vor.u32 v21, v27;
	v33 =	vld.idx.msk [tilespmem:v33+s2+$0x0], $0xffff;
	v54 =	vshll.u32 v62, $0x3  }
0x1ad: {  	v55 =	vshll.u32 v48, $0x3;
	v57 =	vand.u32 $0x7F, v62;
	[tilespmem:s31+$0xD0] =	vst v39;
	v35 =	vand.u32 $0xFFFFFC00, v54;
	v37 =	vld.idx.msk [tilespmem:v37+s2+$0x0], $0xffff  }
0x1ae: {  	v59 =	vand.u32 $0x7F, v48;
	v38 =	vand.u32 $0xFFFFFC00, v55;
	v39 =	vld [tilespmem:s20+$0xE0];
	v35 =	vadd.s32 v14, v35  }
0x1af: {  	v58 =	vld.idx.msk [tilespmem:v51+s2+$0x0], $0xffff;
	[tilespmem:s16+$0xFFFFFFE0] =	vst v18;
	v60 =	vshll.u32 v42, $0x3;
	v38 =	vadd.s32 v19, v38;
	v35 =	vor.u32 v57, v35  }
0x1b0: {  	v61 =	vld [tilespmem:s17+$0xFFFFFFF0];
	v62 =	vand.u32 $0xFFFFFC00, v60;
	v34 =	vor.u32 v59, v38;
	[tilespmem:s31+$0xFFFFFFD0] =	vst v36;
	v35 =	vor.u32 v13, v35  }
0x1b1: {  	v63 =	vand.u32 $0x7F, v42;
	v38 =	vadd.s32 v17, v62;
	[tilespmem:s31+$0xFFFFFF50] =	vst v33;
	v34 =	vor.u32 v16, v34;
	v48 =	vld [tilespmem:s20+$0xFFFFFFE0]  }
0x1b2: {  	v5 =	vshll.u32 v56, $0x3;
	v51 =	vand.u32 $0x7F, v56;
	v33 =	vor.u32 v63, v38;
	v46 =	vld [tilespmem:s20+$0xFFFFFF60]  }
0x1b3: {  	v5 =	vand.u32 $0xFFFFFC00, v5;
	v27 =	vld.idx.msk [tilespmem:v27+s2+$0x0], $0xffff;
	v33 =	vor.u32 v15, v33;
	[tilespmem:s31+$0x50] =	vst v37;
	v45 =	vshll.u32 v39, $0x3  }
0x1b4: {  	v5 =	vadd.s32 v11, v5;
	v39 =	vand.u32 $0x7F, v39;
	v50 =	vld [tilespmem:s20+$0x60];
	v47 =	vand.u32 $0xFFFFFC00, v45  }
0x1b5: {  	v52 =	vand.u32 $0x7F, v61;
	v54 =	vshll.u32 v61, $0x3;
	v36 =	vadd.s32 v32, v47;
	v35 =	vld.idx.msk [tilespmem:v35+s2+$0x0], $0xffff  }
0x1b6: {  	v34 =	vld.idx.msk [tilespmem:v34+s2+$0x0], $0xffff;
	v55 =	vshll.u32 v48, $0x3;
	v38 =	vand.u32 $0x7F, v48;
	v49 =	vor.u32 v39, v36  }
0x1b7: {  	[tilespmem:s16+$0x60] =	vst v58;
	v53 =	vshll.u32 v46, $0x3;
	v57 =	vand.u32 $0x7F, v46;
	v58 =	vand.u32 $0xFFFFFC00, v55  }
0x1b8: {  	[tilespmem:s19+$0xE0] =	vst v27;
	v56 =	vld.idx.msk [tilespmem:v33+s2+$0x0], $0xffff;
	v18 =	vor.u32 v31, v49;
	v40 =	vand.u32 $0xFFFFFC00, v53;
	v42 =	vadd.s32 v30, v58  }
0x1b9: {  	v59 =	vld [tilespmem:s18+$0xF0];
	v40 =	vadd.s32 v23, v40;
	v60 =	vshll.u32 v50, $0x3;
	v61 =	vor.u32 v38, v42  }
0x1ba: {  	v39 =	vld [tilespmem:s17+$0x70];
	v33 =	vor.u32 v57, v40;
	v40 =	vand.u32 $0xFFFFFC00, v60;
	v45 =	vor.u32 v24, v61;
	[tilespmem:s19+$0xFFFFFF60] =	vst v35  }
0x1bb: {  	v36 =	vand.u32 $0x7F, v50;
	v33 =	vor.u32 v22, v33;
	v62 =	vadd.s32 v29, v40;
	[tilespmem:s19+$0xFFFFFFE0] =	vst v34;
	v44 =	vld [tilespmem:s18+$0xFFFFFF70]  }
0x1bc: {  	v5 =	vor.u32 v51, v5;
	v63 =	vand.u32 $0xFFFFFC00, v54;
	v46 =	vor.u32 v36, v62;
	v48 =	vld [tilespmem:s18+$0xFFFFFFF0]  }
0x1bd: {  	v47 =	vadd.s32 v9, v63;
	[tilespmem:s19+$0x60] =	vst v56;
	v18 =	vld.idx.msk [tilespmem:v18+s2+$0x0], $0xffff;
	v49 =	vor.u32 v25, v46  }
0x1be: {  	v5 =	vor.u32 v7, v5;
	v50 =	vor.u32 v52, v47;
	v51 =	vshll.u32 v59, $0x3;
	v52 =	vld [tilespmem:s18+$0x70]  }
0x1bf: {  	v55 =	vand.u32 $0x7F, v59;
	v53 =	vshll.u32 v39, $0x3;
	v9 =	vand.u32 $0xFFFFFC00, v51;
	v59 =	vld.idx.msk [tilespmem:v45+s2+$0x0], $0xffff  }
0x1c0: {  	v7 =	vor.u32 v8, v50;
	v9 =	vadd.s32 v20, v9;
	v8 =	vand.u32 $0xFFFFFC00, v53;
	v54 =	vld.idx.msk [tilespmem:v33+s2+$0x0], $0xffff  }
0x1c1: {  	v57 =	vand.u32 $0x7F, v39;
	v9 =	vor.u32 v55, v9;
	v58 =	vadd.s32 v6, v8  }
0x1c2: {  	v9 =	vor.u32 v21, v9;
	v6 =	vor.u32 v57, v58;
	v60 =	vshll.u32 v44, $0x3;
	[tilespmem:s31+$0xE0] =	vst v18;
	v27 =	vld.idx.msk [tilespmem:v49+s2+$0x0], $0xffff  }
0x1c3: {  	v6 =	vor.u32 v10, v6;
	v62 =	vshll.u32 v48, $0x3;
	v61 =	vand.u32 $0xFFFFFC00, v60;
	v56 =	vld [tilespmem:s20+$0xF0]  }
0x1c4: {  	v26 =	vld.idx.msk [tilespmem:v26+s2+$0x0], $0xffff;
	v63 =	vand.u32 $0x7F, v44;
	v36 =	vand.u32 $0x7F, v48;
	v10 =	vadd.s32 v14, v61;
	[tilespmem:s31+$0xFFFFFFE0] =	vst v59  }
0x1c5: {  	v35 =	vand.u32 $0xFFFFFC00, v62;
	v42 =	vshll.u32 v52, $0x3;
	v10 =	vor.u32 v63, v10;
	[tilespmem:s31+$0xFFFFFF60] =	vst v54;
	v43 =	vld [tilespmem:s20+$0xFFFFFFF0]  }
0x1c6: {  	v14 =	vadd.s32 v19, v35;
	v10 =	vor.u32 v13, v10;
	v13 =	vand.u32 $0xFFFFFC00, v42;
	v37 =	vld [tilespmem:s20+$0xFFFFFF70]  }
0x1c7: {  	v12 =	vld.idx.msk [tilespmem:v12+s2+$0x0], $0xffff;
	v11 =	vand.u32 $0x7F, v52;
	v39 =	vor.u32 v36, v14;
	v13 =	vadd.s32 v17, v13;
	[tilespmem:s31+$0x60] =	vst v27  }
0x1c8: {  	v41 =	vor.u32 v16, v39;
	v11 =	vor.u32 v11, v13;
	v40 =	vshll.u32 v56, $0x3;
	v45 =	vld [tilespmem:s20+$0x70]  }
0x1c9: {  	v4 =	vld.idx.msk [tilespmem:v4+s2+$0x0], $0xffff;
	v44 =	vand.u32 $0x7F, v56;
	v11 =	vor.u32 v15, v11;
	v14 =	vand.u32 $0xFFFFFC00, v40  }
0x1ca: {  	v14 =	vadd.s32 v32, v14;
	v48 =	vand.u32 $0x7F, v43;
	v16 =	vshll.u32 v43, $0x3  }
0x1cb: {  	v5 =	vld.idx.msk [tilespmem:v5+s2+$0x0], $0xffff;
	v14 =	vor.u32 v44, v14;
	v46 =	vshll.u32 v37, $0x3;
	v47 =	vand.u32 $0x7F, v37  }
0x1cc: {  	[tilespmem:s15+$0xFFFFFFF0] =	vst v26;
	v38 =	vld.idx.msk [tilespmem:v28+s2+$0x0], $0xffff;
	v49 =	vand.u32 $0xFFFFFC00, v16;
	v14 =	vor.u32 v31, v14;
	v13 =	vand.u32 $0xFFFFFC00, v46  }
0x1cd: {  	[tilespmem:s16+$0xF0] =	vst v12;
	v7 =	vld.idx.msk [tilespmem:v7+s2+$0x0], $0xffff;
	v15 =	vadd.s32 v30, v49;
	v13 =	vadd.s32 v23, v13;
	v50 =	vshll.u32 v45, $0x3  }
0x1ce: {  	[tilespmem:s15+$0x70] =	vst v4;
	v9 =	vld.idx.msk [tilespmem:v9+s2+$0x0], $0xffff;
	v51 =	vor.u32 v48, v15;
	v52 =	vand.u32 $0x7F, v45;
	v16 =	vand.u32 $0xFFFFFC00, v50  }
0x1cf: {  	v4 =	vld.idx.msk [tilespmem:v10+s2+$0x0], $0xffff;
	v13 =	vor.u32 v47, v13;
	v53 =	vor.u32 v24, v51;
	v16 =	vadd.s32 v29, v16  }
0x1d0: {  	[tilespmem:s16+$0xFFFFFF70] =	vst v5;
	v6 =	vld.idx.msk [tilespmem:v6+s2+$0x0], $0xffff;
	v13 =	vor.u32 v22, v13;
	v54 =	vor.u32 v52, v16  }
0x1d1: {  	[tilespmem:s15+$0xFFFFFF70] =	vst v38;
	v5 =	vld.idx.msk [tilespmem:v41+s2+$0x0], $0xffff;
	v55 =	vor.u32 v25, v54  }
0x1d2: {  	[tilespmem:s16+$0xFFFFFFF0] =	vst v7;
	v57 =	vld.idx.msk [tilespmem:v11+s2+$0x0], $0xffff  }
0x1d3: {  	[tilespmem:s19+$0xF0] =	vst v9;
	v56 =	vld.idx.msk [tilespmem:v14+s2+$0x0], $0xffff  }
0x1d4: {  	[tilespmem:s19+$0xFFFFFF70] =	vst v4;
	v4 =	vld.idx.msk [tilespmem:v53+s2+$0x0], $0xffff  }
0x1d5: {  	[tilespmem:s16+$0x70] =	vst v6;
	v58 =	vld.idx.msk [tilespmem:v13+s2+$0x0], $0xffff  }
0x1d6: {  	[tilespmem:s19+$0xFFFFFFF0] =	vst v5;
	v5 =	vld.idx.msk [tilespmem:v55+s2+$0x0], $0xffff  }
0x1d7: {  	[tilespmem:s19+$0x70] =	vst v57  }
0x1d8: {  	[tilespmem:s31+$0xF0] =	vst v56  }
0x1d9: {  	[tilespmem:s31+$0xFFFFFFF0] =	vst v4  }
0x1da: {  	[tilespmem:s31+$0xFFFFFF70] =	vst v58  }
0x1db: {  	[tilespmem:s31+$0x70] =	vst v5  }
0x1dc: {  	v4 =	vld [tilespmem:$0x3800];
	_ =	sdelay $0x4  }
0x1dd: {  	v5 =	vshll.u32 v4, $0x3  }
0x1de: {  	v6 =	vld [tilespmem:$0x3810];
	v4 =	vand.u32 $0x7F, v4;
	v5 =	vand.u32 $0xFFFFFC00, v5  }
0x1df: {  	v4 =	vor.u32 v4, v5  }
0x1e0: {  	v4 =	vadd.s32 v0, v4;
	_ =	sdelay $0x2  }
0x1e1: {  	v5 =	vshll.u32 v6, $0x3  }
0x1e2: {  	v7 =	vld [tilespmem:$0x3820];
	v6 =	vand.u32 $0x7F, v6;
	v5 =	vand.u32 $0xFFFFFC00, v5  }
0x1e3: {  	v5 =	vor.u32 v6, v5;
	v4 =	vld.idx.msk [tilespmem:v4+s2+$0x0], $0xffff  }
0x1e4: {  	v5 =	vadd.s32 v1, v5;
	_ =	sdelay $0x2  }
0x1e5: {  	v60 =	vld [tilespmem:$0x3830];
	v59 =	vshll.u32 v7, $0x3  }
0x1e6: {  	v6 =	vand.u32 $0xFFFFFC00, v59;
	[tilespmem:$0x7080] =	vst v4;
	v4 =	vand.u32 $0x7F, v7  }
0x1e7: {  	v5 =	vld.idx.msk [tilespmem:v5+s2+$0x0], $0xffff;
	v4 =	vor.u32 v4, v6  }
0x1e8: {  	v4 =	vadd.s32 v2, v4;
	_ =	sdelay $0x1  }
0x1e9: {  	v61 =	vnsel vm0, $0x0, v60  }
0x1ea: {  	v62 =	vshll.u32 v61, $0x3  }
0x1eb: {  	v63 =	vand.u32 $0xFFFFFC00, v62;
	[tilespmem:$0x7090] =	vst v5;
	v5 =	vand.u32 $0x7F, v61  }
0x1ec: {  	v4 =	vld.idx.msk [tilespmem:v4+s2+$0x0], $0xffff;
	v5 =	vor.u32 v5, v63  }
0x1ed: {  	v5 =	vadd.s32 v3, v5;
	_ =	sdelay $0x3  }
0x1ee: {  	[tilespmem:$0x70A0] =	vst v4  }
0x1ef: {  	v4 =	vld.idx.msk [tilespmem:v5+s2+$0x0], $0xffff;
	_ =	sdelay $0x4  }
0x1f0: {  	[tilespmem:$0x70B0] =	vst v4  }
0x1f1: {  	[hbm4b:s6+s2] =	stream.linear.scatter [tilespmem:s12], [sflag:$0x1], $0x1C00, $0x38;
	[tilespmem:$0x7100] =	vst v63  }
0x1f2: {  	s14 =	sadd.s32 $0x1, s14  }
0x1f3: {  	[hbm4b:s7+s2] =	stream.linear.scatter [tilespmem:s13], [sflag:$0x1], $0x38, $0x38;
	[tilespmem:$0x7100] =	vst v63  }
0x1f4: {  	p0 =	sne.s32 s14, s8;
	_ =	swait.ge [sflag:s11], $0x1C00  }
.Ltmp1:
0x1f5: {  	[sflag:s11] =	ssyncset.done $0x0;
	(pc) =	sbr.rel @p0 .LBB2_1-.Ltmp1, $4  }
0x1f6: {  	[sflag:s11] =	ssyncadd.s32 $0xFFFFE400  }
0x1f7: {  	_ =	swait.ge [sflag:s11], $0x38  }
0x1f8: {  	[sflag:s11] =	ssyncset.done $0x0  }
0x1f9: {  	[sflag:s11] =	ssyncadd.s32 $0xFFFFFFC8  }
0x1fa: {  	_ =	sfence.sel $0x180000  }
0x1fb: {  	[bflag:$0x0] =	sbarrier.arrive $0xFFFF  }
0x1fc: {  	p0 =	sne.s32 s0, $0x0;
	_ =	strace $0x90000047  }
0x1fd: {  	s0 =	sadd.s32 @!p0 $0x100000, s1;
	[bflag:$0x2] =	sbarrier.arrive $0xFFFF  }
0x1fe: {  	[sflag:s0] =	ssyncadd.tile.s32 @!p0 $0x1;
	_ =	shalt  }
.Lfunc_end2:
_tile_overlayer_lowered:
.L_overlay_start_2:
0x1ff: {  	(tag) =	ssettag $0x2  }
0x200: {  	s0 =	rddreg [dreg:$0x0];
	s2 =	stileid.u32  }
0x201: {  	s1 =	rddreg [dreg:$0x1];
	p0 =	sne.s32 s2, $0x0  }
0x202: {  	s3 =	rddreg [dreg:$0x2];
	[bflag:$0x3] =	sbarrier.arrive $0xFFFF;
	s2 =	simm.s32 @!p0 $0x1C02  }
0x203: {  	[timem:s3], [sflag:s2] =	dma.local @!p0 [hbm:s0], s1  }
0x204: {  	s0 =	simm.s32 @!p0 $0x2  }
0x205: {  	_ =	swait.ge @!p0 [sflag:s0], s1  }
0x206: {  	s1 =	ssub.s32 @!p0 $0x0, s1;
	[sflag:s0] =	ssyncset.done @!p0 $0x0  }
0x207: {  	[sflag:s0] =	ssyncadd.s32 @!p0 s1  }
0x208: {  	[bflag:$0x3] =	sbarrier.arrive $0xFFFF  }
0x209: {  	_ =	shalt  }

</sc_bundles>
